<compile_context>
chip_gen: v7x
topology: tpu7x:2x2x1
jax: 0.10.2.dev20260603
libtpu: 0.0.44.dev20260713+nightly
codegen_flags: <defaults>
</compile_context>

<pallas_src>
import functools

import jax
import jax.numpy as jnp
from jax import lax
from jax.experimental import pallas as pl
from jax.experimental.pallas import tpu as pltpu
from jax.experimental.pallas import tpu_sc as plsc

N = 10000
E = 160000
D = 32
K = 1024

NC = 2
NS = 16
NW = NC * NS
ESEG = E
PER_W = ESEG // NW
CH = 40
NCHUNK = PER_W // CH
MSTAGE = 1000
INNER = MSTAGE // CH
FIRE = 5
STRIPE = 624
TAIL = N - NS * STRIPE

_mesh = plsc.VectorSubcoreMesh(core_axis_name="c", subcore_axis_name="s")


def _prep_body(x_ref, w1_ref, b1_ref, g_ref, be_ref, coef_ref):
    x = x_ref[...]
    row = jax.lax.broadcasted_iota(jnp.int32, x.shape, 0)
    even = (row % 2) == 0
    xz = jnp.where(even, x, 0.0)
    xr = jnp.where(even, jnp.roll(x, -1, axis=0), 0.0)
    inv_e = 1.0 / E
    st = jnp.sum(x) * inv_e
    ma = jnp.sum(xz) * inv_e
    mb = st - ma
    s2 = jnp.sum(x * x) * inv_e
    saa = jnp.sum(xz * xz) * inv_e
    vaa = saa - ma * ma
    vbb = (s2 - saa) - mb * mb
    vab = jnp.sum(xz * xr) * inv_e - ma * mb
    w0 = w1_ref[0:1, :]
    w1 = w1_ref[1:2, :]
    mean = ma * w0 + mb * w1 + b1_ref[...]
    var = vaa * w0 * w0 + 2.0 * vab * w0 * w1 + vbb * w1 * w1
    s = g_ref[...] * lax.rsqrt(var + 1e-5)
    coef_ref[0:1, :] = s * w0
    coef_ref[1:2, :] = s * w1
    coef_ref[2:3, :] = (b1_ref[...] - mean) * s + be_ref[...]


@functools.partial(
    pl.kernel,
    mesh=_mesh,
    out_type=jax.ShapeDtypeStruct((ESEG, D), jnp.float32),
    scratch_types=[
        pltpu.VMEM((NCHUNK, CH), jnp.int32),
        pltpu.VMEM((MSTAGE, D), jnp.float32),
        pltpu.SemaphoreType.DMA,
    ],
    compiler_params=pltpu.CompilerParams(use_tc_tiling_on_sc=False),
)
def _gather(v_hbm, src_hbm, xj_hbm, idx_v, stage_v, sem):
    wid = lax.axis_index("s") * NC + lax.axis_index("c")
    pltpu.sync_copy(src_hbm.at[wid], idx_v)

    def macro(m, _):
        def fire(f, _):
            handles = []
            for b in range(FIRE):
                j = f * FIRE + b
                handles.append(pltpu.async_copy(
                    v_hbm.at[idx_v.at[m * INNER + j]],
                    stage_v.at[pl.ds(j * CH, CH)], sem))
            for h in handles:
                h.wait()
            return 0

        lax.fori_loop(0, INNER // FIRE, fire, 0)
        pltpu.sync_copy(stage_v,
                        xj_hbm.at[pl.ds(wid * PER_W + m * MSTAGE, MSTAGE)])
        return 0

    lax.fori_loop(0, PER_W // MSTAGE, macro, 0)


def _edge_body(eav_ref, w1_ref, b1_ref, g_ref, be_ref,
               ea_ref, xj_ref, r_ref, s_ref, msg_ref, coef_ref):
    @pl.when(pl.program_id(0) == 0)
    def _fold_bn():
        _prep_body(eav_ref, w1_ref, b1_ref, g_ref, be_ref, coef_ref)

    a = ea_ref[:, 0:1]
    b = ea_ref[:, 1:2]
    g = a * coef_ref[0:1, :] + b * coef_ref[1:2, :] + coef_ref[2:3, :]
    h = jnp.tanh(g)
    xr = jnp.dot(xj_ref[...], r_ref[...], preferred_element_type=jnp.float32)
    msg_ref[...] = jnp.dot(xr * h, s_ref[...],
                           preferred_element_type=jnp.float32)


def _edge(eav, w1, b1, g, be, ea, xj, r, s, block_e=1600):
    e_seg = ea.shape[0]
    grid = (e_seg // block_e,)
    return pl.pallas_call(
        _edge_body,
        grid=grid,
        in_specs=[
            pl.BlockSpec((E // 64, 128), lambda i: (0, 0)),
            pl.BlockSpec((2, K), lambda i: (0, 0)),
            pl.BlockSpec((1, K), lambda i: (0, 0)),
            pl.BlockSpec((1, K), lambda i: (0, 0)),
            pl.BlockSpec((1, K), lambda i: (0, 0)),
            pl.BlockSpec((block_e, 2), lambda i: (i, 0)),
            pl.BlockSpec((block_e, D), lambda i: (i, 0)),
            pl.BlockSpec((D, K), lambda i: (0, 0)),
            pl.BlockSpec((K, D), lambda i: (0, 0)),
        ],
        out_specs=pl.BlockSpec((block_e, D), lambda i: (i, 0)),
        out_shape=jax.ShapeDtypeStruct((e_seg, D), jnp.float32),
        scratch_shapes=[pltpu.VMEM((3, K), jnp.float32)],
    )(eav, w1, b1, g, be, ea, xj, r, s)


@functools.partial(
    pl.kernel,
    mesh=_mesh,
    out_type=(
        jax.ShapeDtypeStruct((NC, N, D), jnp.float32),
        jax.ShapeDtypeStruct((NC, N, D), jnp.float32),
    ),
    scratch_types=[
        pltpu.VMEM((NCHUNK, CH), jnp.int32),
        pltpu.VMEM((MSTAGE, D), jnp.float32),
        pltpu.VMEM((CH, D), jnp.float32),
        pltpu.VMEM_SHARED((N, D), jnp.float32),
        pltpu.VMEM_SHARED((N, D), jnp.float32),
        pltpu.SemaphoreType.DMA,
    ],
    compiler_params=pltpu.CompilerParams(use_tc_tiling_on_sc=False),
)
def _scatter(msg_hbm, dst_hbm, init32_hbm, init16_hbm, ones_hbm,
             sums_hbm, cnt_hbm, idx_v, stage_v, ones_v, ssum, scnt, sem):
    c = lax.axis_index("c")
    s = lax.axis_index("s")
    wid = s * NC + c

    pltpu.sync_copy(init32_hbm.at[c].at[pl.ds(s * STRIPE, STRIPE)],
                    ssum.at[pl.ds(s * STRIPE, STRIPE)])
    pltpu.sync_copy(init16_hbm.at[c].at[pl.ds(s * STRIPE, STRIPE)],
                    scnt.at[pl.ds(s * STRIPE, STRIPE)])

    @pl.when(s == NS - 1)
    def _seed_tail():
        pltpu.sync_copy(init32_hbm.at[c].at[pl.ds(NS * STRIPE, TAIL)],
                        ssum.at[pl.ds(NS * STRIPE, TAIL)])
        pltpu.sync_copy(init16_hbm.at[c].at[pl.ds(NS * STRIPE, TAIL)],
                        scnt.at[pl.ds(NS * STRIPE, TAIL)])

    pltpu.sync_copy(ones_hbm, ones_v)
    pltpu.sync_copy(dst_hbm.at[wid], idx_v)
    plsc.subcore_barrier()

    def outer(m, _):
        pltpu.sync_copy(msg_hbm.at[pl.ds(wid * PER_W + m * MSTAGE, MSTAGE)],
                        stage_v)

        def batch(f, _):
            handles = []
            for b in range(FIRE):
                j = f * FIRE + b
                jj = m * INNER + j
                handles.append(pltpu.async_copy(
                    stage_v.at[pl.ds(j * CH, CH)],
                    ssum.at[idx_v.at[jj]], sem, add=True))
                handles.append(pltpu.async_copy(
                    ones_v, scnt.at[idx_v.at[jj]], sem, add=True))
            for h in handles:
                h.wait()
            return 0

        lax.fori_loop(0, INNER // FIRE, batch, 0)
        return 0

    lax.fori_loop(0, PER_W // MSTAGE, outer, 0)
    plsc.subcore_barrier()

    pltpu.sync_copy(ssum.at[pl.ds(s * STRIPE, STRIPE)],
                    sums_hbm.at[c].at[pl.ds(s * STRIPE, STRIPE)])
    pltpu.sync_copy(scnt.at[pl.ds(s * STRIPE, STRIPE)],
                    cnt_hbm.at[c].at[pl.ds(s * STRIPE, STRIPE)])

    @pl.when(s == NS - 1)
    def _drain_tail():
        pltpu.sync_copy(ssum.at[pl.ds(NS * STRIPE, TAIL)],
                        sums_hbm.at[c].at[pl.ds(NS * STRIPE, TAIL)])
        pltpu.sync_copy(scnt.at[pl.ds(NS * STRIPE, TAIL)],
                        cnt_hbm.at[c].at[pl.ds(NS * STRIPE, TAIL)])


def _final_body(v4_ref, s0_ref, s1_ref, c0_ref, c1_ref, rw4_ref, bias4_ref,
                o_ref):
    cnt = jnp.maximum(c0_ref[...] + c1_ref[...], 1.0)
    aggr = (s0_ref[...] + s1_ref[...]) / cnt
    root = jnp.dot(v4_ref[...], rw4_ref[...],
                   preferred_element_type=jnp.float32)
    x = aggr + root + bias4_ref[...]
    o_ref[...] = jnp.where(x >= 0.0, x, 0.01 * x)


def _final(v4, s0, s1, c0, c1, rw4, bias4, block_n=2500):
    n4 = N // 4
    grid = (n4 // block_n,)
    return pl.pallas_call(
        _final_body,
        grid=grid,
        in_specs=[
            pl.BlockSpec((block_n, 4 * D), lambda i: (i, 0)),
            pl.BlockSpec((block_n, 4 * D), lambda i: (i, 0)),
            pl.BlockSpec((block_n, 4 * D), lambda i: (i, 0)),
            pl.BlockSpec((block_n, 4 * D), lambda i: (i, 0)),
            pl.BlockSpec((block_n, 4 * D), lambda i: (i, 0)),
            pl.BlockSpec((4 * D, 4 * D), lambda i: (0, 0)),
            pl.BlockSpec((1, 4 * D), lambda i: (0, 0)),
        ],
        out_specs=pl.BlockSpec((block_n, 4 * D), lambda i: (i, 0)),
        out_shape=jax.ShapeDtypeStruct((n4, 4 * D), jnp.float32),
    )(v4, s0, s1, c0, c1, rw4, bias4)


def kernel(v, edge_attr, W1, b1, bn_gamma, bn_beta, root_w, bias, edge_index):
    src = edge_index[0].reshape(NW, NCHUNK, CH)
    dst = edge_index[1].reshape(NW, NCHUNK, CH)
    eav = jnp.swapaxes(edge_attr.T.reshape(2, E // 128, 128), 0, 1)
    eav = eav.reshape(E // 64, 128)

    k = jnp.arange(K, dtype=jnp.int32)
    r = (k[None, :] // D == jnp.arange(D, dtype=jnp.int32)[:, None])
    r = r.astype(jnp.float32)
    s = (k[:, None] % D == jnp.arange(D, dtype=jnp.int32)[None, :])
    s = s.astype(jnp.float32)

    z32 = jnp.zeros((NC, N, D), jnp.float32)
    ones = jnp.ones((CH, D), jnp.float32)

    xj = _gather(v, src)
    msg = _edge(eav, W1, b1.reshape(1, K), bn_gamma.reshape(1, K),
                bn_beta.reshape(1, K), edge_attr, xj, r, s)
    sums_p, cnt_p = _scatter(msg, dst, z32, z32, ones)

    n4 = N // 4
    rw4 = jnp.kron(jnp.eye(4, dtype=jnp.float32), root_w)
    bias4 = jnp.tile(bias, 4).reshape(1, 4 * D)
    out4 = _final(v.reshape(n4, 4 * D),
                  sums_p[0].reshape(n4, 4 * D), sums_p[1].reshape(n4, 4 * D),
                  cnt_p[0].reshape(n4, 4 * D), cnt_p[1].reshape(n4, 4 * D),
                  rw4, bias4)
    return out4.reshape(N, D)

# --- scband reference (transcript-rebuilt; emitter-appended) ---
"""Pipeline reference for scband-gnnblock-70875550319240 (READ-ONLY COPY).

The authoritative reference and input builder live on the scoring server;
editing this copy changes nothing except your own understanding.
"""

import jax, jax.numpy as jnp
import numpy as np

N = 10000
E = 160000
DIN = 32
DOUT = 32
EDIM = 2

def _batch_norm(x, gamma, beta, eps=1e-5):
    # torch BatchNorm1d in training mode: biased batch statistics
    mean = jnp.mean(x, axis=0)
    var = jnp.var(x, axis=0)
    return (x - mean) / jnp.sqrt(var + eps) * gamma + beta

def setup_inputs(seed: int = 0):
    key = jax.random.key(seed)
    ks = jax.random.split(key, 6)
    v = jax.random.normal(ks[0], (N, DIN), dtype=jnp.float32)
    edge_index = jax.random.randint(ks[1], (2, E), 0, N, dtype=jnp.int32)
    edge_attr = jax.random.normal(ks[2], (E, EDIM), dtype=jnp.float32)
    W1 = jax.random.normal(ks[3], (EDIM, DIN * DOUT), dtype=jnp.float32) * (1.0 / np.sqrt(EDIM))
    b1 = jnp.zeros((DIN * DOUT,), dtype=jnp.float32)
    bn_gamma = jnp.ones((DIN * DOUT,), dtype=jnp.float32)
    bn_beta = jnp.zeros((DIN * DOUT,), dtype=jnp.float32)
    root_w = jax.random.normal(ks[4], (DIN, DOUT), dtype=jnp.float32) * (1.0 / np.sqrt(DIN))
    bias = jnp.zeros((DOUT,), dtype=jnp.float32)
    return {"v": v, "edge_attr": edge_attr, "W1": W1, "b1": b1, "bn_gamma": bn_gamma, "bn_beta": bn_beta, "root_w": root_w, "bias": bias, "edge_index": edge_index}

def reference(v, edge_attr, W1, b1, bn_gamma, bn_beta, root_w, bias, edge_index):
    src = edge_index[0]
    dst = edge_index[1]
    # get_edge_feat with euclidian=False, direction=False -> raw 2-dim edge attrs
    e = edge_attr
    # edge_net: Linear(2, DIN*DOUT) -> BatchNorm1d -> Tanh
    h = e @ W1 + b1
    h = _batch_norm(h, bn_gamma, bn_beta)
    h = jnp.tanh(h)
    Wedge = h.reshape(E, DIN, DOUT)
    # NNConv (aggr='mean'): message = x_src @ W_edge, mean-aggregated at dst
    xj = v[src]
    msg = jnp.einsum('ei,eio->eo', xj, Wedge)
    sums = jax.ops.segment_sum(msg, dst, num_segments=N)
    cnt = jax.ops.segment_sum(jnp.ones((E,), dtype=jnp.float32), dst, num_segments=N)
    aggr = sums / jnp.clip(cnt, 1.0, None)[:, None]
    # root weight + bias, then GNNLayer: Identity(bn) -> LeakyReLU(act) -> Identity(dp)
    out = aggr + v @ root_w + bias
    out = jax.nn.leaky_relu(out, negative_slope=0.01)
    return out

if __name__ == "__main__":
    import jax
    _d = setup_inputs()
    print(jax.jit(kernel)(*tuple(_d.values())))

</pallas_src>

<mosaic_0001>
#map = affine_map<(d0, d1) -> (0, 0)>
#map1 = affine_map<(d0, d1) -> (0, 0, 0)>
module attributes {stable_mosaic.version = 14 : i64} {
  func.func @_gather(%arg0: i32, %arg1: i32, %arg2: memref<10000x32xf32, #tpu.memory_space<hbm>>, %arg3: memref<32x125x40xi32, #tpu.memory_space<hbm>>, %arg4: memref<160000x32xf32, #tpu.memory_space<hbm>>, %arg5: memref<125x40xi32, #tpu.memory_space<vmem>>, %arg6: memref<1000x32xf32, #tpu.memory_space<vmem>>, %arg7: memref<!tpu.dma_semaphore, #tpu.memory_space<semaphore_mem>>) attributes {dimension_semantics = [#tpu.dimension_semantics<core_parallel>, #tpu.dimension_semantics<subcore_parallel>], iteration_bounds = array<i64: 2, 16>, scalar_prefetch = 0 : i64, scratch_operands = 3 : i64, tpu.core_type = #tpu.core_type<sc_vector_subcore>, window_params = [{transform_indices = #map}, {transform_indices = #map1}, {transform_indices = #map}]} {
    %mul3A = arith.constant 2 : i32
    %mul3A_0 = arith.muli %arg1, %mul3A : i32
    %add3A = arith.addi %mul3A_0, %arg0 : i32
    "tpu.region"() ({
      %run_scoped3A = tpu.sem_alloc : memref<!tpu.dma_semaphore, #tpu.memory_space<semaphore_mem>>
      %dma_start3A = arith.constant 0 : i32
      %dma_start3A_7 = arith.constant 0 : i32
      %dma_start3A_8 = tpu.memref_slice %arg3[%add3A, %dma_start3A, %dma_start3A_7] : memref<32x125x40xi32, #tpu.memory_space<hbm>> -> memref<1x125x40xi32, #tpu.memory_space<hbm>>
      %dma_start3A_9 = tpu.memref_squeeze %dma_start3A_8 : memref<1x125x40xi32, #tpu.memory_space<hbm>> -> memref<125x40xi32, #tpu.memory_space<hbm>>
      %dma_start3A_10 = arith.constant 0 : i32
      %dma_start3A_11 = arith.constant 0 : i32
      %dma_start3A_12 = tpu.memref_slice %arg3[%add3A, %dma_start3A_10, %dma_start3A_11] : memref<32x125x40xi32, #tpu.memory_space<hbm>> -> memref<1x125x40xi32, #tpu.memory_space<hbm>>
      %dma_start3A_13 = tpu.memref_squeeze %dma_start3A_12 : memref<1x125x40xi32, #tpu.memory_space<hbm>> -> memref<125x40xi32, #tpu.memory_space<hbm>>
      tpu.enqueue_dma source(%dma_start3A_13 : memref<125x40xi32, #tpu.memory_space<hbm>>) target(%arg5 : memref<125x40xi32, #tpu.memory_space<vmem>>) target_semaphore(%run_scoped3A : memref<!tpu.dma_semaphore, #tpu.memory_space<semaphore_mem>>)
      %dma_wait3A = arith.constant 0 : i32
      %dma_wait3A_14 = arith.constant 0 : i32
      %dma_wait3A_15 = tpu.memref_slice %arg3[%add3A, %dma_wait3A, %dma_wait3A_14] : memref<32x125x40xi32, #tpu.memory_space<hbm>> -> memref<1x125x40xi32, #tpu.memory_space<hbm>>
      %dma_wait3A_16 = tpu.memref_squeeze %dma_wait3A_15 : memref<1x125x40xi32, #tpu.memory_space<hbm>> -> memref<125x40xi32, #tpu.memory_space<hbm>>
      %dma_wait3A_17 = arith.constant 0 : i32
      %dma_wait3A_18 = arith.constant 0 : i32
      %dma_wait3A_19 = tpu.memref_slice %arg3[%add3A, %dma_wait3A_17, %dma_wait3A_18] : memref<32x125x40xi32, #tpu.memory_space<hbm>> -> memref<1x125x40xi32, #tpu.memory_space<hbm>>
      %dma_wait3A_20 = tpu.memref_squeeze %dma_wait3A_19 : memref<1x125x40xi32, #tpu.memory_space<hbm>> -> memref<125x40xi32, #tpu.memory_space<hbm>>
      tpu.wait_dma2 semaphore(%run_scoped3A : memref<!tpu.dma_semaphore, #tpu.memory_space<semaphore_mem>>) src(%dma_wait3A_20 : memref<125x40xi32, #tpu.memory_space<hbm>>) dst(%arg5 : memref<125x40xi32, #tpu.memory_space<vmem>>)
      tpu.yield
    }) : () -> ()
    %scan3A = arith.constant 0 : i32
    %scan3A_1 = arith.constant 0 : i32
    %scan3A_2 = arith.constant 5 : i32
    %scan3A_3 = arith.addi %scan3A_1, %scan3A_2 : i32
    %scan3A_4 = arith.constant 1 : i32
    %scan3A_5 = scf.for %scan3A_7 = %scan3A_1 to %scan3A_3 step %scan3A_4 iter_args(%scan3A_8 = %scan3A) -> (i32)  : i32 {
      %scan3A_9 = arith.constant 0 : i32
      %scan3A_10 = arith.constant 0 : i32
      %scan3A_11 = arith.constant 5 : i32
      %scan3A_12 = arith.addi %scan3A_10, %scan3A_11 : i32
      %scan3A_13 = arith.constant 1 : i32
      %scan3A_14 = scf.for %scan3A_22 = %scan3A_10 to %scan3A_12 step %scan3A_13 iter_args(%scan3A_23 = %scan3A_9) -> (i32)  : i32 {
        %mul3A_24 = arith.constant 5 : i32
        %mul3A_25 = arith.muli %scan3A_22, %mul3A_24 : i32
        %add3A_26 = arith.constant 0 : i32
        %add3A_27 = arith.addi %mul3A_25, %add3A_26 : i32
        %mul3A_28 = arith.constant 25 : i32
        %mul3A_29 = arith.muli %scan3A_7, %mul3A_28 : i32
        %add3A_30 = arith.addi %mul3A_29, %add3A_27 : i32
        %mul3A_31 = arith.constant 40 : i32
        %mul3A_32 = arith.muli %add3A_27, %mul3A_31 : i32
        %dma_start3A = arith.constant 0 : i32
        %dma_start3A_33 = tpu.memref_slice %arg6[%mul3A_32, %dma_start3A] : memref<1000x32xf32, #tpu.memory_space<vmem>> -> memref<40x32xf32, #tpu.memory_space<vmem>>
        %dma_start3A_34 = arith.constant 0 : i32
        %dma_start3A_35 = tpu.memref_slice %arg5[%add3A_30, %dma_start3A_34] : memref<125x40xi32, #tpu.memory_space<vmem>> -> memref<1x40xi32, #tpu.memory_space<vmem>>
        %dma_start3A_36 = tpu.memref_squeeze %dma_start3A_35 : memref<1x40xi32, #tpu.memory_space<vmem>> -> memref<40xi32, #tpu.memory_space<vmem>>
        %dma_start3A_37 = arith.constant 0 : i32
        %dma_start3A_38 = arith.constant 0 : i32
        %dma_start3A_39 = tpu.memref_slice %arg2[%dma_start3A_37, %dma_start3A_38] : memref<10000x32xf32, #tpu.memory_space<hbm>> -> memref<10000x32xf32, #tpu.memory_space<hbm>>
        tpu.enqueue_indirect_dma source(%dma_start3A_39 : memref<10000x32xf32, #tpu.memory_space<hbm>>) target(%dma_start3A_33 : memref<40x32xf32, #tpu.memory_space<vmem>>) offsets(%dma_start3A_36 : memref<40xi32, #tpu.memory_space<vmem>>) semaphore(%arg7 : memref<!tpu.dma_semaphore, #tpu.memory_space<semaphore_mem>>)
        %mul3A_40 = arith.constant 5 : i32
        %mul3A_41 = arith.muli %scan3A_22, %mul3A_40 : i32
        %add3A_42 = arith.constant 1 : i32
        %add3A_43 = arith.addi %mul3A_41, %add3A_42 : i32
        %mul3A_44 = arith.constant 25 : i32
        %mul3A_45 = arith.muli %scan3A_7, %mul3A_44 : i32
        %add3A_46 = arith.addi %mul3A_45, %add3A_43 : i32
        %mul3A_47 = arith.constant 40 : i32
        %mul3A_48 = arith.muli %add3A_43, %mul3A_47 : i32
        %dma_start3A_49 = arith.constant 0 : i32
        %dma_start3A_50 = tpu.memref_slice %arg6[%mul3A_48, %dma_start3A_49] : memref<1000x32xf32, #tpu.memory_space<vmem>> -> memref<40x32xf32, #tpu.memory_space<vmem>>
        %dma_start3A_51 = arith.constant 0 : i32
        %dma_start3A_52 = tpu.memref_slice %arg5[%add3A_46, %dma_start3A_51] : memref<125x40xi32, #tpu.memory_space<vmem>> -> memref<1x40xi32, #tpu.memory_space<vmem>>
        %dma_start3A_53 = tpu.memref_squeeze %dma_start3A_52 : memref<1x40xi32, #tpu.memory_space<vmem>> -> memref<40xi32, #tpu.memory_space<vmem>>
        %dma_start3A_54 = arith.constant 0 : i32
        %dma_start3A_55 = arith.constant 0 : i32
        %dma_start3A_56 = tpu.memref_slice %arg2[%dma_start3A_54, %dma_start3A_55] : memref<10000x32xf32, #tpu.memory_space<hbm>> -> memref<10000x32xf32, #tpu.memory_space<hbm>>
        tpu.enqueue_indirect_dma source(%dma_start3A_56 : memref<10000x32xf32, #tpu.memory_space<hbm>>) target(%dma_start3A_50 : memref<40x32xf32, #tpu.memory_space<vmem>>) offsets(%dma_start3A_53 : memref<40xi32, #tpu.memory_space<vmem>>) semaphore(%arg7 : memref<!tpu.dma_semaphore, #tpu.memory_space<semaphore_mem>>)
        %mul3A_57 = arith.constant 5 : i32
        %mul3A_58 = arith.muli %scan3A_22, %mul3A_57 : i32
        %add3A_59 = arith.constant 2 : i32
        %add3A_60 = arith.addi %mul3A_58, %add3A_59 : i32
        %mul3A_61 = arith.constant 25 : i32
        %mul3A_62 = arith.muli %scan3A_7, %mul3A_61 : i32
        %add3A_63 = arith.addi %mul3A_62, %add3A_60 : i32
        %mul3A_64 = arith.constant 40 : i32
        %mul3A_65 = arith.muli %add3A_60, %mul3A_64 : i32
        %dma_start3A_66 = arith.constant 0 : i32
        %dma_start3A_67 = tpu.memref_slice %arg6[%mul3A_65, %dma_start3A_66] : memref<1000x32xf32, #tpu.memory_space<vmem>> -> memref<40x32xf32, #tpu.memory_space<vmem>>
        %dma_start3A_68 = arith.constant 0 : i32
        %dma_start3A_69 = tpu.memref_slice %arg5[%add3A_63, %dma_start3A_68] : memref<125x40xi32, #tpu.memory_space<vmem>> -> memref<1x40xi32, #tpu.memory_space<vmem>>
        %dma_start3A_70 = tpu.memref_squeeze %dma_start3A_69 : memref<1x40xi32, #tpu.memory_space<vmem>> -> memref<40xi32, #tpu.memory_space<vmem>>
        %dma_start3A_71 = arith.constant 0 : i32
        %dma_start3A_72 = arith.constant 0 : i32
        %dma_start3A_73 = tpu.memref_slice %arg2[%dma_start3A_71, %dma_start3A_72] : memref<10000x32xf32, #tpu.memory_space<hbm>> -> memref<10000x32xf32, #tpu.memory_space<hbm>>
        tpu.enqueue_indirect_dma source(%dma_start3A_73 : memref<10000x32xf32, #tpu.memory_space<hbm>>) target(%dma_start3A_67 : memref<40x32xf32, #tpu.memory_space<vmem>>) offsets(%dma_start3A_70 : memref<40xi32, #tpu.memory_space<vmem>>) semaphore(%arg7 : memref<!tpu.dma_semaphore, #tpu.memory_space<semaphore_mem>>)
        %mul3A_74 = arith.constant 5 : i32
        %mul3A_75 = arith.muli %scan3A_22, %mul3A_74 : i32
        %add3A_76 = arith.constant 3 : i32
        %add3A_77 = arith.addi %mul3A_75, %add3A_76 : i32
        %mul3A_78 = arith.constant 25 : i32
        %mul3A_79 = arith.muli %scan3A_7, %mul3A_78 : i32
        %add3A_80 = arith.addi %mul3A_79, %add3A_77 : i32
        %mul3A_81 = arith.constant 40 : i32
        %mul3A_82 = arith.muli %add3A_77, %mul3A_81 : i32
        %dma_start3A_83 = arith.constant 0 : i32
        %dma_start3A_84 = tpu.memref_slice %arg6[%mul3A_82, %dma_start3A_83] : memref<1000x32xf32, #tpu.memory_space<vmem>> -> memref<40x32xf32, #tpu.memory_space<vmem>>
        %dma_start3A_85 = arith.constant 0 : i32
        %dma_start3A_86 = tpu.memref_slice %arg5[%add3A_80, %dma_start3A_85] : memref<125x40xi32, #tpu.memory_space<vmem>> -> memref<1x40xi32, #tpu.memory_space<vmem>>
        %dma_start3A_87 = tpu.memref_squeeze %dma_start3A_86 : memref<1x40xi32, #tpu.memory_space<vmem>> -> memref<40xi32, #tpu.memory_space<vmem>>
        %dma_start3A_88 = arith.constant 0 : i32
        %dma_start3A_89 = arith.constant 0 : i32
        %dma_start3A_90 = tpu.memref_slice %arg2[%dma_start3A_88, %dma_start3A_89] : memref<10000x32xf32, #tpu.memory_space<hbm>> -> memref<10000x32xf32, #tpu.memory_space<hbm>>
        tpu.enqueue_indirect_dma source(%dma_start3A_90 : memref<10000x32xf32, #tpu.memory_space<hbm>>) target(%dma_start3A_84 : memref<40x32xf32, #tpu.memory_space<vmem>>) offsets(%dma_start3A_87 : memref<40xi32, #tpu.memory_space<vmem>>) semaphore(%arg7 : memref<!tpu.dma_semaphore, #tpu.memory_space<semaphore_mem>>)
        %mul3A_91 = arith.constant 5 : i32
        %mul3A_92 = arith.muli %scan3A_22, %mul3A_91 : i32
        %add3A_93 = arith.constant 4 : i32
        %add3A_94 = arith.addi %mul3A_92, %add3A_93 : i32
        %mul3A_95 = arith.constant 25 : i32
        %mul3A_96 = arith.muli %scan3A_7, %mul3A_95 : i32
        %add3A_97 = arith.addi %mul3A_96, %add3A_94 : i32
        %mul3A_98 = arith.constant 40 : i32
        %mul3A_99 = arith.muli %add3A_94, %mul3A_98 : i32
        %dma_start3A_100 = arith.constant 0 : i32
        %dma_start3A_101 = tpu.memref_slice %arg6[%mul3A_99, %dma_start3A_100] : memref<1000x32xf32, #tpu.memory_space<vmem>> -> memref<40x32xf32, #tpu.memory_space<vmem>>
        %dma_start3A_102 = arith.constant 0 : i32
        %dma_start3A_103 = tpu.memref_slice %arg5[%add3A_97, %dma_start3A_102] : memref<125x40xi32, #tpu.memory_space<vmem>> -> memref<1x40xi32, #tpu.memory_space<vmem>>
        %dma_start3A_104 = tpu.memref_squeeze %dma_start3A_103 : memref<1x40xi32, #tpu.memory_space<vmem>> -> memref<40xi32, #tpu.memory_space<vmem>>
        %dma_start3A_105 = arith.constant 0 : i32
        %dma_start3A_106 = arith.constant 0 : i32
        %dma_start3A_107 = tpu.memref_slice %arg2[%dma_start3A_105, %dma_start3A_106] : memref<10000x32xf32, #tpu.memory_space<hbm>> -> memref<10000x32xf32, #tpu.memory_space<hbm>>
        tpu.enqueue_indirect_dma source(%dma_start3A_107 : memref<10000x32xf32, #tpu.memory_space<hbm>>) target(%dma_start3A_101 : memref<40x32xf32, #tpu.memory_space<vmem>>) offsets(%dma_start3A_104 : memref<40xi32, #tpu.memory_space<vmem>>) semaphore(%arg7 : memref<!tpu.dma_semaphore, #tpu.memory_space<semaphore_mem>>)
        %dma_wait3A = arith.constant 0 : i32
        %dma_wait3A_108 = tpu.memref_slice %arg6[%mul3A_32, %dma_wait3A] : memref<1000x32xf32, #tpu.memory_space<vmem>> -> memref<40x32xf32, #tpu.memory_space<vmem>>
        %dma_wait3A_109 = arith.constant 0 : i32
        %dma_wait3A_110 = tpu.memref_slice %arg5[%add3A_30, %dma_wait3A_109] : memref<125x40xi32, #tpu.memory_space<vmem>> -> memref<1x40xi32, #tpu.memory_space<vmem>>
        %dma_wait3A_111 = tpu.memref_squeeze %dma_wait3A_110 : memref<1x40xi32, #tpu.memory_space<vmem>> -> memref<40xi32, #tpu.memory_space<vmem>>
        %dma_wait3A_112 = arith.constant 0 : i32
        %dma_wait3A_113 = arith.constant 0 : i32
        %dma_wait3A_114 = tpu.memref_slice %arg2[%dma_wait3A_112, %dma_wait3A_113] : memref<10000x32xf32, #tpu.memory_space<hbm>> -> memref<10000x32xf32, #tpu.memory_space<hbm>>
        tpu.wait_indirect_dma semaphore(%arg7 : memref<!tpu.dma_semaphore, #tpu.memory_space<semaphore_mem>>) src(%dma_wait3A_114 : memref<10000x32xf32, #tpu.memory_space<hbm>>) dst(%dma_wait3A_108 : memref<40x32xf32, #tpu.memory_space<vmem>>)
        %dma_wait3A_115 = arith.constant 0 : i32
        %dma_wait3A_116 = tpu.memref_slice %arg6[%mul3A_48, %dma_wait3A_115] : memref<1000x32xf32, #tpu.memory_space<vmem>> -> memref<40x32xf32, #tpu.memory_space<vmem>>
        %dma_wait3A_117 = arith.constant 0 : i32
        %dma_wait3A_118 = tpu.memref_slice %arg5[%add3A_46, %dma_wait3A_117] : memref<125x40xi32, #tpu.memory_space<vmem>> -> memref<1x40xi32, #tpu.memory_space<vmem>>
        %dma_wait3A_119 = tpu.memref_squeeze %dma_wait3A_118 : memref<1x40xi32, #tpu.memory_space<vmem>> -> memref<40xi32, #tpu.memory_space<vmem>>
        %dma_wait3A_120 = arith.constant 0 : i32
        %dma_wait3A_121 = arith.constant 0 : i32
        %dma_wait3A_122 = tpu.memref_slice %arg2[%dma_wait3A_120, %dma_wait3A_121] : memref<10000x32xf32, #tpu.memory_space<hbm>> -> memref<10000x32xf32, #tpu.memory_space<hbm>>
        tpu.wait_indirect_dma semaphore(%arg7 : memref<!tpu.dma_semaphore, #tpu.memory_space<semaphore_mem>>) src(%dma_wait3A_122 : memref<10000x32xf32, #tpu.memory_space<hbm>>) dst(%dma_wait3A_116 : memref<40x32xf32, #tpu.memory_space<vmem>>)
        %dma_wait3A_123 = arith.constant 0 : i32
        %dma_wait3A_124 = tpu.memref_slice %arg6[%mul3A_65, %dma_wait3A_123] : memref<1000x32xf32, #tpu.memory_space<vmem>> -> memref<40x32xf32, #tpu.memory_space<vmem>>
        %dma_wait3A_125 = arith.constant 0 : i32
        %dma_wait3A_126 = tpu.memref_slice %arg5[%add3A_63, %dma_wait3A_125] : memref<125x40xi32, #tpu.memory_space<vmem>> -> memref<1x40xi32, #tpu.memory_space<vmem>>
        %dma_wait3A_127 = tpu.memref_squeeze %dma_wait3A_126 : memref<1x40xi32, #tpu.memory_space<vmem>> -> memref<40xi32, #tpu.memory_space<vmem>>
        %dma_wait3A_128 = arith.constant 0 : i32
        %dma_wait3A_129 = arith.constant 0 : i32
        %dma_wait3A_130 = tpu.memref_slice %arg2[%dma_wait3A_128, %dma_wait3A_129] : memref<10000x32xf32, #tpu.memory_space<hbm>> -> memref<10000x32xf32, #tpu.memory_space<hbm>>
        tpu.wait_indirect_dma semaphore(%arg7 : memref<!tpu.dma_semaphore, #tpu.memory_space<semaphore_mem>>) src(%dma_wait3A_130 : memref<10000x32xf32, #tpu.memory_space<hbm>>) dst(%dma_wait3A_124 : memref<40x32xf32, #tpu.memory_space<vmem>>)
        %dma_wait3A_131 = arith.constant 0 : i32
        %dma_wait3A_132 = tpu.memref_slice %arg6[%mul3A_82, %dma_wait3A_131] : memref<1000x32xf32, #tpu.memory_space<vmem>> -> memref<40x32xf32, #tpu.memory_space<vmem>>
        %dma_wait3A_133 = arith.constant 0 : i32
        %dma_wait3A_134 = tpu.memref_slice %arg5[%add3A_80, %dma_wait3A_133] : memref<125x40xi32, #tpu.memory_space<vmem>> -> memref<1x40xi32, #tpu.memory_space<vmem>>
        %dma_wait3A_135 = tpu.memref_squeeze %dma_wait3A_134 : memref<1x40xi32, #tpu.memory_space<vmem>> -> memref<40xi32, #tpu.memory_space<vmem>>
        %dma_wait3A_136 = arith.constant 0 : i32
        %dma_wait3A_137 = arith.constant 0 : i32
        %dma_wait3A_138 = tpu.memref_slice %arg2[%dma_wait3A_136, %dma_wait3A_137] : memref<10000x32xf32, #tpu.memory_space<hbm>> -> memref<10000x32xf32, #tpu.memory_space<hbm>>
        tpu.wait_indirect_dma semaphore(%arg7 : memref<!tpu.dma_semaphore, #tpu.memory_space<semaphore_mem>>) src(%dma_wait3A_138 : memref<10000x32xf32, #tpu.memory_space<hbm>>) dst(%dma_wait3A_132 : memref<40x32xf32, #tpu.memory_space<vmem>>)
        %dma_wait3A_139 = arith.constant 0 : i32
        %dma_wait3A_140 = tpu.memref_slice %arg6[%mul3A_99, %dma_wait3A_139] : memref<1000x32xf32, #tpu.memory_space<vmem>> -> memref<40x32xf32, #tpu.memory_space<vmem>>
        %dma_wait3A_141 = arith.constant 0 : i32
        %dma_wait3A_142 = tpu.memref_slice %arg5[%add3A_97, %dma_wait3A_141] : memref<125x40xi32, #tpu.memory_space<vmem>> -> memref<1x40xi32, #tpu.memory_space<vmem>>
        %dma_wait3A_143 = tpu.memref_squeeze %dma_wait3A_142 : memref<1x40xi32, #tpu.memory_space<vmem>> -> memref<40xi32, #tpu.memory_space<vmem>>
        %dma_wait3A_144 = arith.constant 0 : i32
        %dma_wait3A_145 = arith.constant 0 : i32
        %dma_wait3A_146 = tpu.memref_slice %arg2[%dma_wait3A_144, %dma_wait3A_145] : memref<10000x32xf32, #tpu.memory_space<hbm>> -> memref<10000x32xf32, #tpu.memory_space<hbm>>
        tpu.wait_indirect_dma semaphore(%arg7 : memref<!tpu.dma_semaphore, #tpu.memory_space<semaphore_mem>>) src(%dma_wait3A_146 : memref<10000x32xf32, #tpu.memory_space<hbm>>) dst(%dma_wait3A_140 : memref<40x32xf32, #tpu.memory_space<vmem>>)
        %scan3A_147 = arith.constant 0 : i32
        scf.yield %scan3A_147 : i32
      }
      %scan3A_15 = arith.constant 5 : i32
      %mul3A_16 = arith.constant 5000 : i32
      %mul3A_17 = arith.muli %add3A, %mul3A_16 : i32
      %mul3A_18 = arith.constant 1000 : i32
      %mul3A_19 = arith.muli %scan3A_7, %mul3A_18 : i32
      %add3A_20 = arith.addi %mul3A_17, %mul3A_19 : i32
      "tpu.region"() ({
        %run_scoped3A = tpu.sem_alloc : memref<!tpu.dma_semaphore, #tpu.memory_space<semaphore_mem>>
        %dma_start3A = arith.constant 0 : i32
        %dma_start3A_22 = tpu.memref_slice %arg4[%add3A_20, %dma_start3A] : memref<160000x32xf32, #tpu.memory_space<hbm>> -> memref<1000x32xf32, #tpu.memory_space<hbm>>
        %dma_start3A_23 = arith.constant 0 : i32
        %dma_start3A_24 = tpu.memref_slice %arg4[%add3A_20, %dma_start3A_23] : memref<160000x32xf32, #tpu.memory_space<hbm>> -> memref<1000x32xf32, #tpu.memory_space<hbm>>
        tpu.enqueue_dma source(%arg6 : memref<1000x32xf32, #tpu.memory_space<vmem>>) target(%dma_start3A_24 : memref<1000x32xf32, #tpu.memory_space<hbm>>) target_semaphore(%run_scoped3A : memref<!tpu.dma_semaphore, #tpu.memory_space<semaphore_mem>>)
        %dma_wait3A = arith.constant 0 : i32
        %dma_wait3A_25 = tpu.memref_slice %arg4[%add3A_20, %dma_wait3A] : memref<160000x32xf32, #tpu.memory_space<hbm>> -> memref<1000x32xf32, #tpu.memory_space<hbm>>
        %dma_wait3A_26 = arith.constant 0 : i32
        %dma_wait3A_27 = tpu.memref_slice %arg4[%add3A_20, %dma_wait3A_26] : memref<160000x32xf32, #tpu.memory_space<hbm>> -> memref<1000x32xf32, #tpu.memory_space<hbm>>
        tpu.wait_dma2 semaphore(%run_scoped3A : memref<!tpu.dma_semaphore, #tpu.memory_space<semaphore_mem>>) src(%arg6 : memref<1000x32xf32, #tpu.memory_space<vmem>>) dst(%dma_wait3A_27 : memref<1000x32xf32, #tpu.memory_space<hbm>>)
        tpu.yield
      }) : () -> ()
      %scan3A_21 = arith.constant 0 : i32
      scf.yield %scan3A_21 : i32
    }
    %scan3A_6 = arith.constant 5 : i32
    return
  }
}

#map = affine_map<(d0, d1) -> (0, 0)>
#map1 = affine_map<(d0, d1) -> (0, 0, 0)>
module attributes {stable_mosaic.version = 14 : i64} {
  func.func @_scatter(%arg0: i32, %arg1: i32, %arg2: memref<160000x32xf32, #tpu.memory_space<hbm>>, %arg3: memref<32x125x40xi32, #tpu.memory_space<hbm>>, %arg4: memref<2x10000x32xf32, #tpu.memory_space<hbm>>, %arg5: memref<2x10000x32xf32, #tpu.memory_space<hbm>>, %arg6: memref<40x32xf32, #tpu.memory_space<hbm>>, %arg7: memref<2x10000x32xf32, #tpu.memory_space<hbm>>, %arg8: memref<2x10000x32xf32, #tpu.memory_space<hbm>>, %arg9: memref<125x40xi32, #tpu.memory_space<vmem>>, %arg10: memref<1000x32xf32, #tpu.memory_space<vmem>>, %arg11: memref<40x32xf32, #tpu.memory_space<vmem>>, %arg12: memref<10000x32xf32, #tpu.memory_space<vmem_shared>>, %arg13: memref<10000x32xf32, #tpu.memory_space<vmem_shared>>, %arg14: memref<!tpu.dma_semaphore, #tpu.memory_space<semaphore_mem>>) attributes {dimension_semantics = [#tpu.dimension_semantics<core_parallel>, #tpu.dimension_semantics<subcore_parallel>], iteration_bounds = array<i64: 2, 16>, scalar_prefetch = 0 : i64, scratch_operands = 6 : i64, tpu.core_type = #tpu.core_type<sc_vector_subcore>, window_params = [{transform_indices = #map}, {transform_indices = #map1}, {transform_indices = #map1}, {transform_indices = #map1}, {transform_indices = #map}, {transform_indices = #map1}, {transform_indices = #map1}]} {
    %mul3A = arith.constant 2 : i32
    %mul3A_0 = arith.muli %arg1, %mul3A : i32
    %add3A = arith.addi %mul3A_0, %arg0 : i32
    %mul3A_1 = arith.constant 624 : i32
    %mul3A_2 = arith.muli %arg1, %mul3A_1 : i32
    %mul3A_3 = arith.constant 624 : i32
    %mul3A_4 = arith.muli %arg1, %mul3A_3 : i32
    "tpu.region"() ({
      %run_scoped3A = tpu.sem_alloc : memref<!tpu.dma_semaphore, #tpu.memory_space<semaphore_mem>>
      %dma_start3A = arith.constant 0 : i32
      %dma_start3A_31 = tpu.memref_slice %arg12[%mul3A_4, %dma_start3A] : memref<10000x32xf32, #tpu.memory_space<vmem_shared>> -> memref<624x32xf32, #tpu.memory_space<vmem_shared>>
      %dma_start3A_32 = arith.constant 0 : i32
      %dma_start3A_33 = arith.constant 0 : i32
      %dma_start3A_34 = tpu.memref_slice %arg4[%arg0, %dma_start3A_32, %dma_start3A_33] : memref<2x10000x32xf32, #tpu.memory_space<hbm>> -> memref<1x10000x32xf32, #tpu.memory_space<hbm>>
      %dma_start3A_35 = tpu.memref_squeeze %dma_start3A_34 : memref<1x10000x32xf32, #tpu.memory_space<hbm>> -> memref<10000x32xf32, #tpu.memory_space<hbm>>
      %dma_start3A_36 = arith.constant 0 : i32
      %dma_start3A_37 = tpu.memref_slice %dma_start3A_35[%mul3A_2, %dma_start3A_36] : memref<10000x32xf32, #tpu.memory_space<hbm>> -> memref<624x32xf32, #tpu.memory_space<hbm>>
      tpu.enqueue_dma source(%dma_start3A_37 : memref<624x32xf32, #tpu.memory_space<hbm>>) target(%dma_start3A_31 : memref<624x32xf32, #tpu.memory_space<vmem_shared>>) target_semaphore(%run_scoped3A : memref<!tpu.dma_semaphore, #tpu.memory_space<semaphore_mem>>)
      %dma_wait3A = arith.constant 0 : i32
      %dma_wait3A_38 = tpu.memref_slice %arg12[%mul3A_4, %dma_wait3A] : memref<10000x32xf32, #tpu.memory_space<vmem_shared>> -> memref<624x32xf32, #tpu.memory_space<vmem_shared>>
      %dma_wait3A_39 = arith.constant 0 : i32
      %dma_wait3A_40 = arith.constant 0 : i32
      %dma_wait3A_41 = tpu.memref_slice %arg4[%arg0, %dma_wait3A_39, %dma_wait3A_40] : memref<2x10000x32xf32, #tpu.memory_space<hbm>> -> memref<1x10000x32xf32, #tpu.memory_space<hbm>>
      %dma_wait3A_42 = tpu.memref_squeeze %dma_wait3A_41 : memref<1x10000x32xf32, #tpu.memory_space<hbm>> -> memref<10000x32xf32, #tpu.memory_space<hbm>>
      %dma_wait3A_43 = arith.constant 0 : i32
      %dma_wait3A_44 = tpu.memref_slice %dma_wait3A_42[%mul3A_2, %dma_wait3A_43] : memref<10000x32xf32, #tpu.memory_space<hbm>> -> memref<624x32xf32, #tpu.memory_space<hbm>>
      tpu.wait_dma2 semaphore(%run_scoped3A : memref<!tpu.dma_semaphore, #tpu.memory_space<semaphore_mem>>) src(%dma_wait3A_44 : memref<624x32xf32, #tpu.memory_space<hbm>>) dst(%dma_wait3A_38 : memref<624x32xf32, #tpu.memory_space<vmem_shared>>)
      tpu.yield
    }) : () -> ()
    %mul3A_5 = arith.constant 624 : i32
    %mul3A_6 = arith.muli %arg1, %mul3A_5 : i32
    %mul3A_7 = arith.constant 624 : i32
    %mul3A_8 = arith.muli %arg1, %mul3A_7 : i32
    "tpu.region"() ({
      %run_scoped3A = tpu.sem_alloc : memref<!tpu.dma_semaphore, #tpu.memory_space<semaphore_mem>>
      %dma_start3A = arith.constant 0 : i32
      %dma_start3A_31 = tpu.memref_slice %arg13[%mul3A_8, %dma_start3A] : memref<10000x32xf32, #tpu.memory_space<vmem_shared>> -> memref<624x32xf32, #tpu.memory_space<vmem_shared>>
      %dma_start3A_32 = arith.constant 0 : i32
      %dma_start3A_33 = arith.constant 0 : i32
      %dma_start3A_34 = tpu.memref_slice %arg5[%arg0, %dma_start3A_32, %dma_start3A_33] : memref<2x10000x32xf32, #tpu.memory_space<hbm>> -> memref<1x10000x32xf32, #tpu.memory_space<hbm>>
      %dma_start3A_35 = tpu.memref_squeeze %dma_start3A_34 : memref<1x10000x32xf32, #tpu.memory_space<hbm>> -> memref<10000x32xf32, #tpu.memory_space<hbm>>
      %dma_start3A_36 = arith.constant 0 : i32
      %dma_start3A_37 = tpu.memref_slice %dma_start3A_35[%mul3A_6, %dma_start3A_36] : memref<10000x32xf32, #tpu.memory_space<hbm>> -> memref<624x32xf32, #tpu.memory_space<hbm>>
      tpu.enqueue_dma source(%dma_start3A_37 : memref<624x32xf32, #tpu.memory_space<hbm>>) target(%dma_start3A_31 : memref<624x32xf32, #tpu.memory_space<vmem_shared>>) target_semaphore(%run_scoped3A : memref<!tpu.dma_semaphore, #tpu.memory_space<semaphore_mem>>)
      %dma_wait3A = arith.constant 0 : i32
      %dma_wait3A_38 = tpu.memref_slice %arg13[%mul3A_8, %dma_wait3A] : memref<10000x32xf32, #tpu.memory_space<vmem_shared>> -> memref<624x32xf32, #tpu.memory_space<vmem_shared>>
      %dma_wait3A_39 = arith.constant 0 : i32
      %dma_wait3A_40 = arith.constant 0 : i32
      %dma_wait3A_41 = tpu.memref_slice %arg5[%arg0, %dma_wait3A_39, %dma_wait3A_40] : memref<2x10000x32xf32, #tpu.memory_space<hbm>> -> memref<1x10000x32xf32, #tpu.memory_space<hbm>>
      %dma_wait3A_42 = tpu.memref_squeeze %dma_wait3A_41 : memref<1x10000x32xf32, #tpu.memory_space<hbm>> -> memref<10000x32xf32, #tpu.memory_space<hbm>>
      %dma_wait3A_43 = arith.constant 0 : i32
      %dma_wait3A_44 = tpu.memref_slice %dma_wait3A_42[%mul3A_6, %dma_wait3A_43] : memref<10000x32xf32, #tpu.memory_space<hbm>> -> memref<624x32xf32, #tpu.memory_space<hbm>>
      tpu.wait_dma2 semaphore(%run_scoped3A : memref<!tpu.dma_semaphore, #tpu.memory_space<semaphore_mem>>) src(%dma_wait3A_44 : memref<624x32xf32, #tpu.memory_space<hbm>>) dst(%dma_wait3A_38 : memref<624x32xf32, #tpu.memory_space<vmem_shared>>)
      tpu.yield
    }) : () -> ()
    %eq3A = arith.constant 15 : i32
    %eq3A_9 = arith.cmpi eq, %arg1, %eq3A : i32
    %convert_element_type3A = arith.extui %eq3A_9 : i1 to i32
    %cond3A = arith.constant 0 : i32
    %cond3A_10 = arith.cmpi ne, %convert_element_type3A, %cond3A : i32
    scf.if %cond3A_10 {
      "tpu.region"() ({
        %run_scoped3A = tpu.sem_alloc : memref<!tpu.dma_semaphore, #tpu.memory_space<semaphore_mem>>
        %dma_start3A = arith.constant 9984 : i32
        %dma_start3A_31 = arith.constant 0 : i32
        %dma_start3A_32 = tpu.memref_slice %arg12[%dma_start3A, %dma_start3A_31] : memref<10000x32xf32, #tpu.memory_space<vmem_shared>> -> memref<16x32xf32, #tpu.memory_space<vmem_shared>>
        %dma_start3A_33 = arith.constant 0 : i32
        %dma_start3A_34 = arith.constant 0 : i32
        %dma_start3A_35 = tpu.memref_slice %arg4[%arg0, %dma_start3A_33, %dma_start3A_34] : memref<2x10000x32xf32, #tpu.memory_space<hbm>> -> memref<1x10000x32xf32, #tpu.memory_space<hbm>>
        %dma_start3A_36 = tpu.memref_squeeze %dma_start3A_35 : memref<1x10000x32xf32, #tpu.memory_space<hbm>> -> memref<10000x32xf32, #tpu.memory_space<hbm>>
        %dma_start3A_37 = arith.constant 9984 : i32
        %dma_start3A_38 = arith.constant 0 : i32
        %dma_start3A_39 = tpu.memref_slice %dma_start3A_36[%dma_start3A_37, %dma_start3A_38] : memref<10000x32xf32, #tpu.memory_space<hbm>> -> memref<16x32xf32, #tpu.memory_space<hbm>>
        tpu.enqueue_dma source(%dma_start3A_39 : memref<16x32xf32, #tpu.memory_space<hbm>>) target(%dma_start3A_32 : memref<16x32xf32, #tpu.memory_space<vmem_shared>>) target_semaphore(%run_scoped3A : memref<!tpu.dma_semaphore, #tpu.memory_space<semaphore_mem>>)
        %dma_wait3A = arith.constant 9984 : i32
        %dma_wait3A_40 = arith.constant 0 : i32
        %dma_wait3A_41 = tpu.memref_slice %arg12[%dma_wait3A, %dma_wait3A_40] : memref<10000x32xf32, #tpu.memory_space<vmem_shared>> -> memref<16x32xf32, #tpu.memory_space<vmem_shared>>
        %dma_wait3A_42 = arith.constant 0 : i32
        %dma_wait3A_43 = arith.constant 0 : i32
        %dma_wait3A_44 = tpu.memref_slice %arg4[%arg0, %dma_wait3A_42, %dma_wait3A_43] : memref<2x10000x32xf32, #tpu.memory_space<hbm>> -> memref<1x10000x32xf32, #tpu.memory_space<hbm>>
        %dma_wait3A_45 = tpu.memref_squeeze %dma_wait3A_44 : memref<1x10000x32xf32, #tpu.memory_space<hbm>> -> memref<10000x32xf32, #tpu.memory_space<hbm>>
        %dma_wait3A_46 = arith.constant 9984 : i32
        %dma_wait3A_47 = arith.constant 0 : i32
        %dma_wait3A_48 = tpu.memref_slice %dma_wait3A_45[%dma_wait3A_46, %dma_wait3A_47] : memref<10000x32xf32, #tpu.memory_space<hbm>> -> memref<16x32xf32, #tpu.memory_space<hbm>>
        tpu.wait_dma2 semaphore(%run_scoped3A : memref<!tpu.dma_semaphore, #tpu.memory_space<semaphore_mem>>) src(%dma_wait3A_48 : memref<16x32xf32, #tpu.memory_space<hbm>>) dst(%dma_wait3A_41 : memref<16x32xf32, #tpu.memory_space<vmem_shared>>)
        tpu.yield
      }) : () -> ()
      "tpu.region"() ({
        %run_scoped3A = tpu.sem_alloc : memref<!tpu.dma_semaphore, #tpu.memory_space<semaphore_mem>>
        %dma_start3A = arith.constant 9984 : i32
        %dma_start3A_31 = arith.constant 0 : i32
        %dma_start3A_32 = tpu.memref_slice %arg13[%dma_start3A, %dma_start3A_31] : memref<10000x32xf32, #tpu.memory_space<vmem_shared>> -> memref<16x32xf32, #tpu.memory_space<vmem_shared>>
        %dma_start3A_33 = arith.constant 0 : i32
        %dma_start3A_34 = arith.constant 0 : i32
        %dma_start3A_35 = tpu.memref_slice %arg5[%arg0, %dma_start3A_33, %dma_start3A_34] : memref<2x10000x32xf32, #tpu.memory_space<hbm>> -> memref<1x10000x32xf32, #tpu.memory_space<hbm>>
        %dma_start3A_36 = tpu.memref_squeeze %dma_start3A_35 : memref<1x10000x32xf32, #tpu.memory_space<hbm>> -> memref<10000x32xf32, #tpu.memory_space<hbm>>
        %dma_start3A_37 = arith.constant 9984 : i32
        %dma_start3A_38 = arith.constant 0 : i32
        %dma_start3A_39 = tpu.memref_slice %dma_start3A_36[%dma_start3A_37, %dma_start3A_38] : memref<10000x32xf32, #tpu.memory_space<hbm>> -> memref<16x32xf32, #tpu.memory_space<hbm>>
        tpu.enqueue_dma source(%dma_start3A_39 : memref<16x32xf32, #tpu.memory_space<hbm>>) target(%dma_start3A_32 : memref<16x32xf32, #tpu.memory_space<vmem_shared>>) target_semaphore(%run_scoped3A : memref<!tpu.dma_semaphore, #tpu.memory_space<semaphore_mem>>)
        %dma_wait3A = arith.constant 9984 : i32
        %dma_wait3A_40 = arith.constant 0 : i32
        %dma_wait3A_41 = tpu.memref_slice %arg13[%dma_wait3A, %dma_wait3A_40] : memref<10000x32xf32, #tpu.memory_space<vmem_shared>> -> memref<16x32xf32, #tpu.memory_space<vmem_shared>>
        %dma_wait3A_42 = arith.constant 0 : i32
        %dma_wait3A_43 = arith.constant 0 : i32
        %dma_wait3A_44 = tpu.memref_slice %arg5[%arg0, %dma_wait3A_42, %dma_wait3A_43] : memref<2x10000x32xf32, #tpu.memory_space<hbm>> -> memref<1x10000x32xf32, #tpu.memory_space<hbm>>
        %dma_wait3A_45 = tpu.memref_squeeze %dma_wait3A_44 : memref<1x10000x32xf32, #tpu.memory_space<hbm>> -> memref<10000x32xf32, #tpu.memory_space<hbm>>
        %dma_wait3A_46 = arith.constant 9984 : i32
        %dma_wait3A_47 = arith.constant 0 : i32
        %dma_wait3A_48 = tpu.memref_slice %dma_wait3A_45[%dma_wait3A_46, %dma_wait3A_47] : memref<10000x32xf32, #tpu.memory_space<hbm>> -> memref<16x32xf32, #tpu.memory_space<hbm>>
        tpu.wait_dma2 semaphore(%run_scoped3A : memref<!tpu.dma_semaphore, #tpu.memory_space<semaphore_mem>>) src(%dma_wait3A_48 : memref<16x32xf32, #tpu.memory_space<hbm>>) dst(%dma_wait3A_41 : memref<16x32xf32, #tpu.memory_space<vmem_shared>>)
        tpu.yield
      }) : () -> ()
    } else {
    }
    "tpu.region"() ({
      %run_scoped3A = tpu.sem_alloc : memref<!tpu.dma_semaphore, #tpu.memory_space<semaphore_mem>>
      tpu.enqueue_dma source(%arg6 : memref<40x32xf32, #tpu.memory_space<hbm>>) target(%arg11 : memref<40x32xf32, #tpu.memory_space<vmem>>) target_semaphore(%run_scoped3A : memref<!tpu.dma_semaphore, #tpu.memory_space<semaphore_mem>>)
      tpu.wait_dma2 semaphore(%run_scoped3A : memref<!tpu.dma_semaphore, #tpu.memory_space<semaphore_mem>>) src(%arg6 : memref<40x32xf32, #tpu.memory_space<hbm>>) dst(%arg11 : memref<40x32xf32, #tpu.memory_space<vmem>>)
      tpu.yield
    }) : () -> ()
    "tpu.region"() ({
      %run_scoped3A = tpu.sem_alloc : memref<!tpu.dma_semaphore, #tpu.memory_space<semaphore_mem>>
      %dma_start3A = arith.constant 0 : i32
      %dma_start3A_31 = arith.constant 0 : i32
      %dma_start3A_32 = tpu.memref_slice %arg3[%add3A, %dma_start3A, %dma_start3A_31] : memref<32x125x40xi32, #tpu.memory_space<hbm>> -> memref<1x125x40xi32, #tpu.memory_space<hbm>>
      %dma_start3A_33 = tpu.memref_squeeze %dma_start3A_32 : memref<1x125x40xi32, #tpu.memory_space<hbm>> -> memref<125x40xi32, #tpu.memory_space<hbm>>
      %dma_start3A_34 = arith.constant 0 : i32
      %dma_start3A_35 = arith.constant 0 : i32
      %dma_start3A_36 = tpu.memref_slice %arg3[%add3A, %dma_start3A_34, %dma_start3A_35] : memref<32x125x40xi32, #tpu.memory_space<hbm>> -> memref<1x125x40xi32, #tpu.memory_space<hbm>>
      %dma_start3A_37 = tpu.memref_squeeze %dma_start3A_36 : memref<1x125x40xi32, #tpu.memory_space<hbm>> -> memref<125x40xi32, #tpu.memory_space<hbm>>
      tpu.enqueue_dma source(%dma_start3A_37 : memref<125x40xi32, #tpu.memory_space<hbm>>) target(%arg9 : memref<125x40xi32, #tpu.memory_space<vmem>>) target_semaphore(%run_scoped3A : memref<!tpu.dma_semaphore, #tpu.memory_space<semaphore_mem>>)
      %dma_wait3A = arith.constant 0 : i32
      %dma_wait3A_38 = arith.constant 0 : i32
      %dma_wait3A_39 = tpu.memref_slice %arg3[%add3A, %dma_wait3A, %dma_wait3A_38] : memref<32x125x40xi32, #tpu.memory_space<hbm>> -> memref<1x125x40xi32, #tpu.memory_space<hbm>>
      %dma_wait3A_40 = tpu.memref_squeeze %dma_wait3A_39 : memref<1x125x40xi32, #tpu.memory_space<hbm>> -> memref<125x40xi32, #tpu.memory_space<hbm>>
      %dma_wait3A_41 = arith.constant 0 : i32
      %dma_wait3A_42 = arith.constant 0 : i32
      %dma_wait3A_43 = tpu.memref_slice %arg3[%add3A, %dma_wait3A_41, %dma_wait3A_42] : memref<32x125x40xi32, #tpu.memory_space<hbm>> -> memref<1x125x40xi32, #tpu.memory_space<hbm>>
      %dma_wait3A_44 = tpu.memref_squeeze %dma_wait3A_43 : memref<1x125x40xi32, #tpu.memory_space<hbm>> -> memref<125x40xi32, #tpu.memory_space<hbm>>
      tpu.wait_dma2 semaphore(%run_scoped3A : memref<!tpu.dma_semaphore, #tpu.memory_space<semaphore_mem>>) src(%dma_wait3A_44 : memref<125x40xi32, #tpu.memory_space<hbm>>) dst(%arg9 : memref<125x40xi32, #tpu.memory_space<vmem>>)
      tpu.yield
    }) : () -> ()
    %barrier3A = arith.constant 0 : index
    tpu.barrier barrier_id(%barrier3A)
    %scan3A = arith.constant 0 : i32
    %scan3A_11 = arith.constant 0 : i32
    %scan3A_12 = arith.constant 5 : i32
    %scan3A_13 = arith.addi %scan3A_11, %scan3A_12 : i32
    %scan3A_14 = arith.constant 1 : i32
    %scan3A_15 = scf.for %scan3A_31 = %scan3A_11 to %scan3A_13 step %scan3A_14 iter_args(%scan3A_32 = %scan3A) -> (i32)  : i32 {
      %mul3A_33 = arith.constant 5000 : i32
      %mul3A_34 = arith.muli %add3A, %mul3A_33 : i32
      %mul3A_35 = arith.constant 1000 : i32
      %mul3A_36 = arith.muli %scan3A_31, %mul3A_35 : i32
      %add3A_37 = arith.addi %mul3A_34, %mul3A_36 : i32
      "tpu.region"() ({
        %run_scoped3A = tpu.sem_alloc : memref<!tpu.dma_semaphore, #tpu.memory_space<semaphore_mem>>
        %dma_start3A = arith.constant 0 : i32
        %dma_start3A_46 = tpu.memref_slice %arg2[%add3A_37, %dma_start3A] : memref<160000x32xf32, #tpu.memory_space<hbm>> -> memref<1000x32xf32, #tpu.memory_space<hbm>>
        %dma_start3A_47 = arith.constant 0 : i32
        %dma_start3A_48 = tpu.memref_slice %arg2[%add3A_37, %dma_start3A_47] : memref<160000x32xf32, #tpu.memory_space<hbm>> -> memref<1000x32xf32, #tpu.memory_space<hbm>>
        tpu.enqueue_dma source(%dma_start3A_48 : memref<1000x32xf32, #tpu.memory_space<hbm>>) target(%arg10 : memref<1000x32xf32, #tpu.memory_space<vmem>>) target_semaphore(%run_scoped3A : memref<!tpu.dma_semaphore, #tpu.memory_space<semaphore_mem>>)
        %dma_wait3A = arith.constant 0 : i32
        %dma_wait3A_49 = tpu.memref_slice %arg2[%add3A_37, %dma_wait3A] : memref<160000x32xf32, #tpu.memory_space<hbm>> -> memref<1000x32xf32, #tpu.memory_space<hbm>>
        %dma_wait3A_50 = arith.constant 0 : i32
        %dma_wait3A_51 = tpu.memref_slice %arg2[%add3A_37, %dma_wait3A_50] : memref<160000x32xf32, #tpu.memory_space<hbm>> -> memref<1000x32xf32, #tpu.memory_space<hbm>>
        tpu.wait_dma2 semaphore(%run_scoped3A : memref<!tpu.dma_semaphore, #tpu.memory_space<semaphore_mem>>) src(%dma_wait3A_51 : memref<1000x32xf32, #tpu.memory_space<hbm>>) dst(%arg10 : memref<1000x32xf32, #tpu.memory_space<vmem>>)
        tpu.yield
      }) : () -> ()
      %scan3A_38 = arith.constant 0 : i32
      %scan3A_39 = arith.constant 0 : i32
      %scan3A_40 = arith.constant 5 : i32
      %scan3A_41 = arith.addi %scan3A_39, %scan3A_40 : i32
      %scan3A_42 = arith.constant 1 : i32
      %scan3A_43 = scf.for %scan3A_46 = %scan3A_39 to %scan3A_41 step %scan3A_42 iter_args(%scan3A_47 = %scan3A_38) -> (i32)  : i32 {
        %mul3A_48 = arith.constant 5 : i32
        %mul3A_49 = arith.muli %scan3A_46, %mul3A_48 : i32
        %add3A_50 = arith.constant 0 : i32
        %add3A_51 = arith.addi %mul3A_49, %add3A_50 : i32
        %mul3A_52 = arith.constant 25 : i32
        %mul3A_53 = arith.muli %scan3A_31, %mul3A_52 : i32
        %add3A_54 = arith.addi %mul3A_53, %add3A_51 : i32
        %mul3A_55 = arith.constant 40 : i32
        %mul3A_56 = arith.muli %add3A_51, %mul3A_55 : i32
        %dma_start3A = arith.constant 0 : i32
        %dma_start3A_57 = tpu.memref_slice %arg10[%mul3A_56, %dma_start3A] : memref<1000x32xf32, #tpu.memory_space<vmem>> -> memref<40x32xf32, #tpu.memory_space<vmem>>
        %dma_start3A_58 = arith.constant 0 : i32
        %dma_start3A_59 = tpu.memref_slice %arg9[%add3A_54, %dma_start3A_58] : memref<125x40xi32, #tpu.memory_space<vmem>> -> memref<1x40xi32, #tpu.memory_space<vmem>>
        %dma_start3A_60 = tpu.memref_squeeze %dma_start3A_59 : memref<1x40xi32, #tpu.memory_space<vmem>> -> memref<40xi32, #tpu.memory_space<vmem>>
        %dma_start3A_61 = arith.constant 0 : i32
        %dma_start3A_62 = arith.constant 0 : i32
        %dma_start3A_63 = tpu.memref_slice %arg12[%dma_start3A_61, %dma_start3A_62] : memref<10000x32xf32, #tpu.memory_space<vmem_shared>> -> memref<10000x32xf32, #tpu.memory_space<vmem_shared>>
        tpu.enqueue_indirect_dma source(%dma_start3A_57 : memref<40x32xf32, #tpu.memory_space<vmem>>) target(%dma_start3A_63 : memref<10000x32xf32, #tpu.memory_space<vmem_shared>>) offsets(%dma_start3A_60 : memref<40xi32, #tpu.memory_space<vmem>>) semaphore(%arg14 : memref<!tpu.dma_semaphore, #tpu.memory_space<semaphore_mem>>) {add = true}
        %dma_start3A_64 = arith.constant 0 : i32
        %dma_start3A_65 = tpu.memref_slice %arg9[%add3A_54, %dma_start3A_64] : memref<125x40xi32, #tpu.memory_space<vmem>> -> memref<1x40xi32, #tpu.memory_space<vmem>>
        %dma_start3A_66 = tpu.memref_squeeze %dma_start3A_65 : memref<1x40xi32, #tpu.memory_space<vmem>> -> memref<40xi32, #tpu.memory_space<vmem>>
        %dma_start3A_67 = arith.constant 0 : i32
        %dma_start3A_68 = arith.constant 0 : i32
        %dma_start3A_69 = tpu.memref_slice %arg13[%dma_start3A_67, %dma_start3A_68] : memref<10000x32xf32, #tpu.memory_space<vmem_shared>> -> memref<10000x32xf32, #tpu.memory_space<vmem_shared>>
        tpu.enqueue_indirect_dma source(%arg11 : memref<40x32xf32, #tpu.memory_space<vmem>>) target(%dma_start3A_69 : memref<10000x32xf32, #tpu.memory_space<vmem_shared>>) offsets(%dma_start3A_66 : memref<40xi32, #tpu.memory_space<vmem>>) semaphore(%arg14 : memref<!tpu.dma_semaphore, #tpu.memory_space<semaphore_mem>>) {add = true}
        %mul3A_70 = arith.constant 5 : i32
        %mul3A_71 = arith.muli %scan3A_46, %mul3A_70 : i32
        %add3A_72 = arith.constant 1 : i32
        %add3A_73 = arith.addi %mul3A_71, %add3A_72 : i32
        %mul3A_74 = arith.constant 25 : i32
        %mul3A_75 = arith.muli %scan3A_31, %mul3A_74 : i32
        %add3A_76 = arith.addi %mul3A_75, %add3A_73 : i32
        %mul3A_77 = arith.constant 40 : i32
        %mul3A_78 = arith.muli %add3A_73, %mul3A_77 : i32
        %dma_start3A_79 = arith.constant 0 : i32
        %dma_start3A_80 = tpu.memref_slice %arg10[%mul3A_78, %dma_start3A_79] : memref<1000x32xf32, #tpu.memory_space<vmem>> -> memref<40x32xf32, #tpu.memory_space<vmem>>
        %dma_start3A_81 = arith.constant 0 : i32
        %dma_start3A_82 = tpu.memref_slice %arg9[%add3A_76, %dma_start3A_81] : memref<125x40xi32, #tpu.memory_space<vmem>> -> memref<1x40xi32, #tpu.memory_space<vmem>>
        %dma_start3A_83 = tpu.memref_squeeze %dma_start3A_82 : memref<1x40xi32, #tpu.memory_space<vmem>> -> memref<40xi32, #tpu.memory_space<vmem>>
        %dma_start3A_84 = arith.constant 0 : i32
        %dma_start3A_85 = arith.constant 0 : i32
        %dma_start3A_86 = tpu.memref_slice %arg12[%dma_start3A_84, %dma_start3A_85] : memref<10000x32xf32, #tpu.memory_space<vmem_shared>> -> memref<10000x32xf32, #tpu.memory_space<vmem_shared>>
        tpu.enqueue_indirect_dma source(%dma_start3A_80 : memref<40x32xf32, #tpu.memory_space<vmem>>) target(%dma_start3A_86 : memref<10000x32xf32, #tpu.memory_space<vmem_shared>>) offsets(%dma_start3A_83 : memref<40xi32, #tpu.memory_space<vmem>>) semaphore(%arg14 : memref<!tpu.dma_semaphore, #tpu.memory_space<semaphore_mem>>) {add = true}
        %dma_start3A_87 = arith.constant 0 : i32
        %dma_start3A_88 = tpu.memref_slice %arg9[%add3A_76, %dma_start3A_87] : memref<125x40xi32, #tpu.memory_space<vmem>> -> memref<1x40xi32, #tpu.memory_space<vmem>>
        %dma_start3A_89 = tpu.memref_squeeze %dma_start3A_88 : memref<1x40xi32, #tpu.memory_space<vmem>> -> memref<40xi32, #tpu.memory_space<vmem>>
        %dma_start3A_90 = arith.constant 0 : i32
        %dma_start3A_91 = arith.constant 0 : i32
        %dma_start3A_92 = tpu.memref_slice %arg13[%dma_start3A_90, %dma_start3A_91] : memref<10000x32xf32, #tpu.memory_space<vmem_shared>> -> memref<10000x32xf32, #tpu.memory_space<vmem_shared>>
        tpu.enqueue_indirect_dma source(%arg11 : memref<40x32xf32, #tpu.memory_space<vmem>>) target(%dma_start3A_92 : memref<10000x32xf32, #tpu.memory_space<vmem_shared>>) offsets(%dma_start3A_89 : memref<40xi32, #tpu.memory_space<vmem>>) semaphore(%arg14 : memref<!tpu.dma_semaphore, #tpu.memory_space<semaphore_mem>>) {add = true}
        %mul3A_93 = arith.constant 5 : i32
        %mul3A_94 = arith.muli %scan3A_46, %mul3A_93 : i32
        %add3A_95 = arith.constant 2 : i32
        %add3A_96 = arith.addi %mul3A_94, %add3A_95 : i32
        %mul3A_97 = arith.constant 25 : i32
        %mul3A_98 = arith.muli %scan3A_31, %mul3A_97 : i32
        %add3A_99 = arith.addi %mul3A_98, %add3A_96 : i32
        %mul3A_100 = arith.constant 40 : i32
        %mul3A_101 = arith.muli %add3A_96, %mul3A_100 : i32
        %dma_start3A_102 = arith.constant 0 : i32
        %dma_start3A_103 = tpu.memref_slice %arg10[%mul3A_101, %dma_start3A_102] : memref<1000x32xf32, #tpu.memory_space<vmem>> -> memref<40x32xf32, #tpu.memory_space<vmem>>
        %dma_start3A_104 = arith.constant 0 : i32
        %dma_start3A_105 = tpu.memref_slice %arg9[%add3A_99, %dma_start3A_104] : memref<125x40xi32, #tpu.memory_space<vmem>> -> memref<1x40xi32, #tpu.memory_space<vmem>>
        %dma_start3A_106 = tpu.memref_squeeze %dma_start3A_105 : memref<1x40xi32, #tpu.memory_space<vmem>> -> memref<40xi32, #tpu.memory_space<vmem>>
        %dma_start3A_107 = arith.constant 0 : i32
        %dma_start3A_108 = arith.constant 0 : i32
        %dma_start3A_109 = tpu.memref_slice %arg12[%dma_start3A_107, %dma_start3A_108] : memref<10000x32xf32, #tpu.memory_space<vmem_shared>> -> memref<10000x32xf32, #tpu.memory_space<vmem_shared>>
        tpu.enqueue_indirect_dma source(%dma_start3A_103 : memref<40x32xf32, #tpu.memory_space<vmem>>) target(%dma_start3A_109 : memref<10000x32xf32, #tpu.memory_space<vmem_shared>>) offsets(%dma_start3A_106 : memref<40xi32, #tpu.memory_space<vmem>>) semaphore(%arg14 : memref<!tpu.dma_semaphore, #tpu.memory_space<semaphore_mem>>) {add = true}
        %dma_start3A_110 = arith.constant 0 : i32
        %dma_start3A_111 = tpu.memref_slice %arg9[%add3A_99, %dma_start3A_110] : memref<125x40xi32, #tpu.memory_space<vmem>> -> memref<1x40xi32, #tpu.memory_space<vmem>>
        %dma_start3A_112 = tpu.memref_squeeze %dma_start3A_111 : memref<1x40xi32, #tpu.memory_space<vmem>> -> memref<40xi32, #tpu.memory_space<vmem>>
        %dma_start3A_113 = arith.constant 0 : i32
        %dma_start3A_114 = arith.constant 0 : i32
        %dma_start3A_115 = tpu.memref_slice %arg13[%dma_start3A_113, %dma_start3A_114] : memref<10000x32xf32, #tpu.memory_space<vmem_shared>> -> memref<10000x32xf32, #tpu.memory_space<vmem_shared>>
        tpu.enqueue_indirect_dma source(%arg11 : memref<40x32xf32, #tpu.memory_space<vmem>>) target(%dma_start3A_115 : memref<10000x32xf32, #tpu.memory_space<vmem_shared>>) offsets(%dma_start3A_112 : memref<40xi32, #tpu.memory_space<vmem>>) semaphore(%arg14 : memref<!tpu.dma_semaphore, #tpu.memory_space<semaphore_mem>>) {add = true}
        %mul3A_116 = arith.constant 5 : i32
        %mul3A_117 = arith.muli %scan3A_46, %mul3A_116 : i32
        %add3A_118 = arith.constant 3 : i32
        %add3A_119 = arith.addi %mul3A_117, %add3A_118 : i32
        %mul3A_120 = arith.constant 25 : i32
        %mul3A_121 = arith.muli %scan3A_31, %mul3A_120 : i32
        %add3A_122 = arith.addi %mul3A_121, %add3A_119 : i32
        %mul3A_123 = arith.constant 40 : i32
        %mul3A_124 = arith.muli %add3A_119, %mul3A_123 : i32
        %dma_start3A_125 = arith.constant 0 : i32
        %dma_start3A_126 = tpu.memref_slice %arg10[%mul3A_124, %dma_start3A_125] : memref<1000x32xf32, #tpu.memory_space<vmem>> -> memref<40x32xf32, #tpu.memory_space<vmem>>
        %dma_start3A_127 = arith.constant 0 : i32
        %dma_start3A_128 = tpu.memref_slice %arg9[%add3A_122, %dma_start3A_127] : memref<125x40xi32, #tpu.memory_space<vmem>> -> memref<1x40xi32, #tpu.memory_space<vmem>>
        %dma_start3A_129 = tpu.memref_squeeze %dma_start3A_128 : memref<1x40xi32, #tpu.memory_space<vmem>> -> memref<40xi32, #tpu.memory_space<vmem>>
        %dma_start3A_130 = arith.constant 0 : i32
        %dma_start3A_131 = arith.constant 0 : i32
        %dma_start3A_132 = tpu.memref_slice %arg12[%dma_start3A_130, %dma_start3A_131] : memref<10000x32xf32, #tpu.memory_space<vmem_shared>> -> memref<10000x32xf32, #tpu.memory_space<vmem_shared>>
        tpu.enqueue_indirect_dma source(%dma_start3A_126 : memref<40x32xf32, #tpu.memory_space<vmem>>) target(%dma_start3A_132 : memref<10000x32xf32, #tpu.memory_space<vmem_shared>>) offsets(%dma_start3A_129 : memref<40xi32, #tpu.memory_space<vmem>>) semaphore(%arg14 : memref<!tpu.dma_semaphore, #tpu.memory_space<semaphore_mem>>) {add = true}
        %dma_start3A_133 = arith.constant 0 : i32
        %dma_start3A_134 = tpu.memref_slice %arg9[%add3A_122, %dma_start3A_133] : memref<125x40xi32, #tpu.memory_space<vmem>> -> memref<1x40xi32, #tpu.memory_space<vmem>>
        %dma_start3A_135 = tpu.memref_squeeze %dma_start3A_134 : memref<1x40xi32, #tpu.memory_space<vmem>> -> memref<40xi32, #tpu.memory_space<vmem>>
        %dma_start3A_136 = arith.constant 0 : i32
        %dma_start3A_137 = arith.constant 0 : i32
        %dma_start3A_138 = tpu.memref_slice %arg13[%dma_start3A_136, %dma_start3A_137] : memref<10000x32xf32, #tpu.memory_space<vmem_shared>> -> memref<10000x32xf32, #tpu.memory_space<vmem_shared>>
        tpu.enqueue_indirect_dma source(%arg11 : memref<40x32xf32, #tpu.memory_space<vmem>>) target(%dma_start3A_138 : memref<10000x32xf32, #tpu.memory_space<vmem_shared>>) offsets(%dma_start3A_135 : memref<40xi32, #tpu.memory_space<vmem>>) semaphore(%arg14 : memref<!tpu.dma_semaphore, #tpu.memory_space<semaphore_mem>>) {add = true}
        %mul3A_139 = arith.constant 5 : i32
        %mul3A_140 = arith.muli %scan3A_46, %mul3A_139 : i32
        %add3A_141 = arith.constant 4 : i32
        %add3A_142 = arith.addi %mul3A_140, %add3A_141 : i32
        %mul3A_143 = arith.constant 25 : i32
        %mul3A_144 = arith.muli %scan3A_31, %mul3A_143 : i32
        %add3A_145 = arith.addi %mul3A_144, %add3A_142 : i32
        %mul3A_146 = arith.constant 40 : i32
        %mul3A_147 = arith.muli %add3A_142, %mul3A_146 : i32
        %dma_start3A_148 = arith.constant 0 : i32
        %dma_start3A_149 = tpu.memref_slice %arg10[%mul3A_147, %dma_start3A_148] : memref<1000x32xf32, #tpu.memory_space<vmem>> -> memref<40x32xf32, #tpu.memory_space<vmem>>
        %dma_start3A_150 = arith.constant 0 : i32
        %dma_start3A_151 = tpu.memref_slice %arg9[%add3A_145, %dma_start3A_150] : memref<125x40xi32, #tpu.memory_space<vmem>> -> memref<1x40xi32, #tpu.memory_space<vmem>>
        %dma_start3A_152 = tpu.memref_squeeze %dma_start3A_151 : memref<1x40xi32, #tpu.memory_space<vmem>> -> memref<40xi32, #tpu.memory_space<vmem>>
        %dma_start3A_153 = arith.constant 0 : i32
        %dma_start3A_154 = arith.constant 0 : i32
        %dma_start3A_155 = tpu.memref_slice %arg12[%dma_start3A_153, %dma_start3A_154] : memref<10000x32xf32, #tpu.memory_space<vmem_shared>> -> memref<10000x32xf32, #tpu.memory_space<vmem_shared>>
        tpu.enqueue_indirect_dma source(%dma_start3A_149 : memref<40x32xf32, #tpu.memory_space<vmem>>) target(%dma_start3A_155 : memref<10000x32xf32, #tpu.memory_space<vmem_shared>>) offsets(%dma_start3A_152 : memref<40xi32, #tpu.memory_space<vmem>>) semaphore(%arg14 : memref<!tpu.dma_semaphore, #tpu.memory_space<semaphore_mem>>) {add = true}
        %dma_start3A_156 = arith.constant 0 : i32
        %dma_start3A_157 = tpu.memref_slice %arg9[%add3A_145, %dma_start3A_156] : memref<125x40xi32, #tpu.memory_space<vmem>> -> memref<1x40xi32, #tpu.memory_space<vmem>>
        %dma_start3A_158 = tpu.memref_squeeze %dma_start3A_157 : memref<1x40xi32, #tpu.memory_space<vmem>> -> memref<40xi32, #tpu.memory_space<vmem>>
        %dma_start3A_159 = arith.constant 0 : i32
        %dma_start3A_160 = arith.constant 0 : i32
        %dma_start3A_161 = tpu.memref_slice %arg13[%dma_start3A_159, %dma_start3A_160] : memref<10000x32xf32, #tpu.memory_space<vmem_shared>> -> memref<10000x32xf32, #tpu.memory_space<vmem_shared>>
        tpu.enqueue_indirect_dma source(%arg11 : memref<40x32xf32, #tpu.memory_space<vmem>>) target(%dma_start3A_161 : memref<10000x32xf32, #tpu.memory_space<vmem_shared>>) offsets(%dma_start3A_158 : memref<40xi32, #tpu.memory_space<vmem>>) semaphore(%arg14 : memref<!tpu.dma_semaphore, #tpu.memory_space<semaphore_mem>>) {add = true}
        %dma_wait3A = arith.constant 0 : i32
        %dma_wait3A_162 = tpu.memref_slice %arg10[%mul3A_56, %dma_wait3A] : memref<1000x32xf32, #tpu.memory_space<vmem>> -> memref<40x32xf32, #tpu.memory_space<vmem>>
        %dma_wait3A_163 = arith.constant 0 : i32
        %dma_wait3A_164 = tpu.memref_slice %arg9[%add3A_54, %dma_wait3A_163] : memref<125x40xi32, #tpu.memory_space<vmem>> -> memref<1x40xi32, #tpu.memory_space<vmem>>
        %dma_wait3A_165 = tpu.memref_squeeze %dma_wait3A_164 : memref<1x40xi32, #tpu.memory_space<vmem>> -> memref<40xi32, #tpu.memory_space<vmem>>
        %dma_wait3A_166 = arith.constant 0 : i32
        %dma_wait3A_167 = arith.constant 0 : i32
        %dma_wait3A_168 = tpu.memref_slice %arg12[%dma_wait3A_166, %dma_wait3A_167] : memref<10000x32xf32, #tpu.memory_space<vmem_shared>> -> memref<10000x32xf32, #tpu.memory_space<vmem_shared>>
        tpu.wait_indirect_dma semaphore(%arg14 : memref<!tpu.dma_semaphore, #tpu.memory_space<semaphore_mem>>) src(%dma_wait3A_162 : memref<40x32xf32, #tpu.memory_space<vmem>>) dst(%dma_wait3A_168 : memref<10000x32xf32, #tpu.memory_space<vmem_shared>>)
        %dma_wait3A_169 = arith.constant 0 : i32
        %dma_wait3A_170 = tpu.memref_slice %arg9[%add3A_54, %dma_wait3A_169] : memref<125x40xi32, #tpu.memory_space<vmem>> -> memref<1x40xi32, #tpu.memory_space<vmem>>
        %dma_wait3A_171 = tpu.memref_squeeze %dma_wait3A_170 : memref<1x40xi32, #tpu.memory_space<vmem>> -> memref<40xi32, #tpu.memory_space<vmem>>
        %dma_wait3A_172 = arith.constant 0 : i32
        %dma_wait3A_173 = arith.constant 0 : i32
        %dma_wait3A_174 = tpu.memref_slice %arg13[%dma_wait3A_172, %dma_wait3A_173] : memref<10000x32xf32, #tpu.memory_space<vmem_shared>> -> memref<10000x32xf32, #tpu.memory_space<vmem_shared>>
        tpu.wait_indirect_dma semaphore(%arg14 : memref<!tpu.dma_semaphore, #tpu.memory_space<semaphore_mem>>) src(%arg11 : memref<40x32xf32, #tpu.memory_space<vmem>>) dst(%dma_wait3A_174 : memref<10000x32xf32, #tpu.memory_space<vmem_shared>>)
        %dma_wait3A_175 = arith.constant 0 : i32
        %dma_wait3A_176 = tpu.memref_slice %arg10[%mul3A_78, %dma_wait3A_175] : memref<1000x32xf32, #tpu.memory_space<vmem>> -> memref<40x32xf32, #tpu.memory_space<vmem>>
        %dma_wait3A_177 = arith.constant 0 : i32
        %dma_wait3A_178 = tpu.memref_slice %arg9[%add3A_76, %dma_wait3A_177] : memref<125x40xi32, #tpu.memory_space<vmem>> -> memref<1x40xi32, #tpu.memory_space<vmem>>
        %dma_wait3A_179 = tpu.memref_squeeze %dma_wait3A_178 : memref<1x40xi32, #tpu.memory_space<vmem>> -> memref<40xi32, #tpu.memory_space<vmem>>
        %dma_wait3A_180 = arith.constant 0 : i32
        %dma_wait3A_181 = arith.constant 0 : i32
        %dma_wait3A_182 = tpu.memref_slice %arg12[%dma_wait3A_180, %dma_wait3A_181] : memref<10000x32xf32, #tpu.memory_space<vmem_shared>> -> memref<10000x32xf32, #tpu.memory_space<vmem_shared>>
        tpu.wait_indirect_dma semaphore(%arg14 : memref<!tpu.dma_semaphore, #tpu.memory_space<semaphore_mem>>) src(%dma_wait3A_176 : memref<40x32xf32, #tpu.memory_space<vmem>>) dst(%dma_wait3A_182 : memref<10000x32xf32, #tpu.memory_space<vmem_shared>>)
        %dma_wait3A_183 = arith.constant 0 : i32
        %dma_wait3A_184 = tpu.memref_slice %arg9[%add3A_76, %dma_wait3A_183] : memref<125x40xi32, #tpu.memory_space<vmem>> -> memref<1x40xi32, #tpu.memory_space<vmem>>
        %dma_wait3A_185 = tpu.memref_squeeze %dma_wait3A_184 : memref<1x40xi32, #tpu.memory_space<vmem>> -> memref<40xi32, #tpu.memory_space<vmem>>
        %dma_wait3A_186 = arith.constant 0 : i32
        %dma_wait3A_187 = arith.constant 0 : i32
        %dma_wait3A_188 = tpu.memref_slice %arg13[%dma_wait3A_186, %dma_wait3A_187] : memref<10000x32xf32, #tpu.memory_space<vmem_shared>> -> memref<10000x32xf32, #tpu.memory_space<vmem_shared>>
        tpu.wait_indirect_dma semaphore(%arg14 : memref<!tpu.dma_semaphore, #tpu.memory_space<semaphore_mem>>) src(%arg11 : memref<40x32xf32, #tpu.memory_space<vmem>>) dst(%dma_wait3A_188 : memref<10000x32xf32, #tpu.memory_space<vmem_shared>>)
        %dma_wait3A_189 = arith.constant 0 : i32
        %dma_wait3A_190 = tpu.memref_slice %arg10[%mul3A_101, %dma_wait3A_189] : memref<1000x32xf32, #tpu.memory_space<vmem>> -> memref<40x32xf32, #tpu.memory_space<vmem>>
        %dma_wait3A_191 = arith.constant 0 : i32
        %dma_wait3A_192 = tpu.memref_slice %arg9[%add3A_99, %dma_wait3A_191] : memref<125x40xi32, #tpu.memory_space<vmem>> -> memref<1x40xi32, #tpu.memory_space<vmem>>
        %dma_wait3A_193 = tpu.memref_squeeze %dma_wait3A_192 : memref<1x40xi32, #tpu.memory_space<vmem>> -> memref<40xi32, #tpu.memory_space<vmem>>
        %dma_wait3A_194 = arith.constant 0 : i32
        %dma_wait3A_195 = arith.constant 0 : i32
        %dma_wait3A_196 = tpu.memref_slice %arg12[%dma_wait3A_194, %dma_wait3A_195] : memref<10000x32xf32, #tpu.memory_space<vmem_shared>> -> memref<10000x32xf32, #tpu.memory_space<vmem_shared>>
        tpu.wait_indirect_dma semaphore(%arg14 : memref<!tpu.dma_semaphore, #tpu.memory_space<semaphore_mem>>) src(%dma_wait3A_190 : memref<40x32xf32, #tpu.memory_space<vmem>>) dst(%dma_wait3A_196 : memref<10000x32xf32, #tpu.memory_space<vmem_shared>>)
        %dma_wait3A_197 = arith.constant 0 : i32
        %dma_wait3A_198 = tpu.memref_slice %arg9[%add3A_99, %dma_wait3A_197] : memref<125x40xi32, #tpu.memory_space<vmem>> -> memref<1x40xi32, #tpu.memory_space<vmem>>
        %dma_wait3A_199 = tpu.memref_squeeze %dma_wait3A_198 : memref<1x40xi32, #tpu.memory_space<vmem>> -> memref<40xi32, #tpu.memory_space<vmem>>
        %dma_wait3A_200 = arith.constant 0 : i32
        %dma_wait3A_201 = arith.constant 0 : i32
        %dma_wait3A_202 = tpu.memref_slice %arg13[%dma_wait3A_200, %dma_wait3A_201] : memref<10000x32xf32, #tpu.memory_space<vmem_shared>> -> memref<10000x32xf32, #tpu.memory_space<vmem_shared>>
        tpu.wait_indirect_dma semaphore(%arg14 : memref<!tpu.dma_semaphore, #tpu.memory_space<semaphore_mem>>) src(%arg11 : memref<40x32xf32, #tpu.memory_space<vmem>>) dst(%dma_wait3A_202 : memref<10000x32xf32, #tpu.memory_space<vmem_shared>>)
        %dma_wait3A_203 = arith.constant 0 : i32
        %dma_wait3A_204 = tpu.memref_slice %arg10[%mul3A_124, %dma_wait3A_203] : memref<1000x32xf32, #tpu.memory_space<vmem>> -> memref<40x32xf32, #tpu.memory_space<vmem>>
        %dma_wait3A_205 = arith.constant 0 : i32
        %dma_wait3A_206 = tpu.memref_slice %arg9[%add3A_122, %dma_wait3A_205] : memref<125x40xi32, #tpu.memory_space<vmem>> -> memref<1x40xi32, #tpu.memory_space<vmem>>
        %dma_wait3A_207 = tpu.memref_squeeze %dma_wait3A_206 : memref<1x40xi32, #tpu.memory_space<vmem>> -> memref<40xi32, #tpu.memory_space<vmem>>
        %dma_wait3A_208 = arith.constant 0 : i32
        %dma_wait3A_209 = arith.constant 0 : i32
        %dma_wait3A_210 = tpu.memref_slice %arg12[%dma_wait3A_208, %dma_wait3A_209] : memref<10000x32xf32, #tpu.memory_space<vmem_shared>> -> memref<10000x32xf32, #tpu.memory_space<vmem_shared>>
        tpu.wait_indirect_dma semaphore(%arg14 : memref<!tpu.dma_semaphore, #tpu.memory_space<semaphore_mem>>) src(%dma_wait3A_204 : memref<40x32xf32, #tpu.memory_space<vmem>>) dst(%dma_wait3A_210 : memref<10000x32xf32, #tpu.memory_space<vmem_shared>>)
        %dma_wait3A_211 = arith.constant 0 : i32
        %dma_wait3A_212 = tpu.memref_slice %arg9[%add3A_122, %dma_wait3A_211] : memref<125x40xi32, #tpu.memory_space<vmem>> -> memref<1x40xi32, #tpu.memory_space<vmem>>
        %dma_wait3A_213 = tpu.memref_squeeze %dma_wait3A_212 : memref<1x40xi32, #tpu.memory_space<vmem>> -> memref<40xi32, #tpu.memory_space<vmem>>
        %dma_wait3A_214 = arith.constant 0 : i32
        %dma_wait3A_215 = arith.constant 0 : i32
        %dma_wait3A_216 = tpu.memref_slice %arg13[%dma_wait3A_214, %dma_wait3A_215] : memref<10000x32xf32, #tpu.memory_space<vmem_shared>> -> memref<10000x32xf32, #tpu.memory_space<vmem_shared>>
        tpu.wait_indirect_dma semaphore(%arg14 : memref<!tpu.dma_semaphore, #tpu.memory_space<semaphore_mem>>) src(%arg11 : memref<40x32xf32, #tpu.memory_space<vmem>>) dst(%dma_wait3A_216 : memref<10000x32xf32, #tpu.memory_space<vmem_shared>>)
        %dma_wait3A_217 = arith.constant 0 : i32
        %dma_wait3A_218 = tpu.memref_slice %arg10[%mul3A_147, %dma_wait3A_217] : memref<1000x32xf32, #tpu.memory_space<vmem>> -> memref<40x32xf32, #tpu.memory_space<vmem>>
        %dma_wait3A_219 = arith.constant 0 : i32
        %dma_wait3A_220 = tpu.memref_slice %arg9[%add3A_145, %dma_wait3A_219] : memref<125x40xi32, #tpu.memory_space<vmem>> -> memref<1x40xi32, #tpu.memory_space<vmem>>
        %dma_wait3A_221 = tpu.memref_squeeze %dma_wait3A_220 : memref<1x40xi32, #tpu.memory_space<vmem>> -> memref<40xi32, #tpu.memory_space<vmem>>
        %dma_wait3A_222 = arith.constant 0 : i32
        %dma_wait3A_223 = arith.constant 0 : i32
        %dma_wait3A_224 = tpu.memref_slice %arg12[%dma_wait3A_222, %dma_wait3A_223] : memref<10000x32xf32, #tpu.memory_space<vmem_shared>> -> memref<10000x32xf32, #tpu.memory_space<vmem_shared>>
        tpu.wait_indirect_dma semaphore(%arg14 : memref<!tpu.dma_semaphore, #tpu.memory_space<semaphore_mem>>) src(%dma_wait3A_218 : memref<40x32xf32, #tpu.memory_space<vmem>>) dst(%dma_wait3A_224 : memref<10000x32xf32, #tpu.memory_space<vmem_shared>>)
        %dma_wait3A_225 = arith.constant 0 : i32
        %dma_wait3A_226 = tpu.memref_slice %arg9[%add3A_145, %dma_wait3A_225] : memref<125x40xi32, #tpu.memory_space<vmem>> -> memref<1x40xi32, #tpu.memory_space<vmem>>
        %dma_wait3A_227 = tpu.memref_squeeze %dma_wait3A_226 : memref<1x40xi32, #tpu.memory_space<vmem>> -> memref<40xi32, #tpu.memory_space<vmem>>
        %dma_wait3A_228 = arith.constant 0 : i32
        %dma_wait3A_229 = arith.constant 0 : i32
        %dma_wait3A_230 = tpu.memref_slice %arg13[%dma_wait3A_228, %dma_wait3A_229] : memref<10000x32xf32, #tpu.memory_space<vmem_shared>> -> memref<10000x32xf32, #tpu.memory_space<vmem_shared>>
        tpu.wait_indirect_dma semaphore(%arg14 : memref<!tpu.dma_semaphore, #tpu.memory_space<semaphore_mem>>) src(%arg11 : memref<40x32xf32, #tpu.memory_space<vmem>>) dst(%dma_wait3A_230 : memref<10000x32xf32, #tpu.memory_space<vmem_shared>>)
        %scan3A_231 = arith.constant 0 : i32
        scf.yield %scan3A_231 : i32
      }
      %scan3A_44 = arith.constant 5 : i32
      %scan3A_45 = arith.constant 0 : i32
      scf.yield %scan3A_45 : i32
    }
    %scan3A_16 = arith.constant 5 : i32
    %barrier3A_17 = arith.constant 0 : index
    tpu.barrier barrier_id(%barrier3A_17)
    %mul3A_18 = arith.constant 624 : i32
    %mul3A_19 = arith.muli %arg1, %mul3A_18 : i32
    %mul3A_20 = arith.constant 624 : i32
    %mul3A_21 = arith.muli %arg1, %mul3A_20 : i32
    "tpu.region"() ({
      %run_scoped3A = tpu.sem_alloc : memref<!tpu.dma_semaphore, #tpu.memory_space<semaphore_mem>>
      %dma_start3A = arith.constant 0 : i32
      %dma_start3A_31 = arith.constant 0 : i32
      %dma_start3A_32 = tpu.memref_slice %arg7[%arg0, %dma_start3A, %dma_start3A_31] : memref<2x10000x32xf32, #tpu.memory_space<hbm>> -> memref<1x10000x32xf32, #tpu.memory_space<hbm>>
      %dma_start3A_33 = tpu.memref_squeeze %dma_start3A_32 : memref<1x10000x32xf32, #tpu.memory_space<hbm>> -> memref<10000x32xf32, #tpu.memory_space<hbm>>
      %dma_start3A_34 = arith.constant 0 : i32
      %dma_start3A_35 = tpu.memref_slice %dma_start3A_33[%mul3A_21, %dma_start3A_34] : memref<10000x32xf32, #tpu.memory_space<hbm>> -> memref<624x32xf32, #tpu.memory_space<hbm>>
      %dma_start3A_36 = arith.constant 0 : i32
      %dma_start3A_37 = tpu.memref_slice %arg12[%mul3A_19, %dma_start3A_36] : memref<10000x32xf32, #tpu.memory_space<vmem_shared>> -> memref<624x32xf32, #tpu.memory_space<vmem_shared>>
      tpu.enqueue_dma source(%dma_start3A_37 : memref<624x32xf32, #tpu.memory_space<vmem_shared>>) target(%dma_start3A_35 : memref<624x32xf32, #tpu.memory_space<hbm>>) target_semaphore(%run_scoped3A : memref<!tpu.dma_semaphore, #tpu.memory_space<semaphore_mem>>)
      %dma_wait3A = arith.constant 0 : i32
      %dma_wait3A_38 = arith.constant 0 : i32
      %dma_wait3A_39 = tpu.memref_slice %arg7[%arg0, %dma_wait3A, %dma_wait3A_38] : memref<2x10000x32xf32, #tpu.memory_space<hbm>> -> memref<1x10000x32xf32, #tpu.memory_space<hbm>>
      %dma_wait3A_40 = tpu.memref_squeeze %dma_wait3A_39 : memref<1x10000x32xf32, #tpu.memory_space<hbm>> -> memref<10000x32xf32, #tpu.memory_space<hbm>>
      %dma_wait3A_41 = arith.constant 0 : i32
      %dma_wait3A_42 = tpu.memref_slice %dma_wait3A_40[%mul3A_21, %dma_wait3A_41] : memref<10000x32xf32, #tpu.memory_space<hbm>> -> memref<624x32xf32, #tpu.memory_space<hbm>>
      %dma_wait3A_43 = arith.constant 0 : i32
      %dma_wait3A_44 = tpu.memref_slice %arg12[%mul3A_19, %dma_wait3A_43] : memref<10000x32xf32, #tpu.memory_space<vmem_shared>> -> memref<624x32xf32, #tpu.memory_space<vmem_shared>>
      tpu.wait_dma2 semaphore(%run_scoped3A : memref<!tpu.dma_semaphore, #tpu.memory_space<semaphore_mem>>) src(%dma_wait3A_44 : memref<624x32xf32, #tpu.memory_space<vmem_shared>>) dst(%dma_wait3A_42 : memref<624x32xf32, #tpu.memory_space<hbm>>)
      tpu.yield
    }) : () -> ()
    %mul3A_22 = arith.constant 624 : i32
    %mul3A_23 = arith.muli %arg1, %mul3A_22 : i32
    %mul3A_24 = arith.constant 624 : i32
    %mul3A_25 = arith.muli %arg1, %mul3A_24 : i32
    "tpu.region"() ({
      %run_scoped3A = tpu.sem_alloc : memref<!tpu.dma_semaphore, #tpu.memory_space<semaphore_mem>>
      %dma_start3A = arith.constant 0 : i32
      %dma_start3A_31 = arith.constant 0 : i32
      %dma_start3A_32 = tpu.memref_slice %arg8[%arg0, %dma_start3A, %dma_start3A_31] : memref<2x10000x32xf32, #tpu.memory_space<hbm>> -> memref<1x10000x32xf32, #tpu.memory_space<hbm>>
      %dma_start3A_33 = tpu.memref_squeeze %dma_start3A_32 : memref<1x10000x32xf32, #tpu.memory_space<hbm>> -> memref<10000x32xf32, #tpu.memory_space<hbm>>
      %dma_start3A_34 = arith.constant 0 : i32
      %dma_start3A_35 = tpu.memref_slice %dma_start3A_33[%mul3A_25, %dma_start3A_34] : memref<10000x32xf32, #tpu.memory_space<hbm>> -> memref<624x32xf32, #tpu.memory_space<hbm>>
      %dma_start3A_36 = arith.constant 0 : i32
      %dma_start3A_37 = tpu.memref_slice %arg13[%mul3A_23, %dma_start3A_36] : memref<10000x32xf32, #tpu.memory_space<vmem_shared>> -> memref<624x32xf32, #tpu.memory_space<vmem_shared>>
      tpu.enqueue_dma source(%dma_start3A_37 : memref<624x32xf32, #tpu.memory_space<vmem_shared>>) target(%dma_start3A_35 : memref<624x32xf32, #tpu.memory_space<hbm>>) target_semaphore(%run_scoped3A : memref<!tpu.dma_semaphore, #tpu.memory_space<semaphore_mem>>)
      %dma_wait3A = arith.constant 0 : i32
      %dma_wait3A_38 = arith.constant 0 : i32
      %dma_wait3A_39 = tpu.memref_slice %arg8[%arg0, %dma_wait3A, %dma_wait3A_38] : memref<2x10000x32xf32, #tpu.memory_space<hbm>> -> memref<1x10000x32xf32, #tpu.memory_space<hbm>>
      %dma_wait3A_40 = tpu.memref_squeeze %dma_wait3A_39 : memref<1x10000x32xf32, #tpu.memory_space<hbm>> -> memref<10000x32xf32, #tpu.memory_space<hbm>>
      %dma_wait3A_41 = arith.constant 0 : i32
      %dma_wait3A_42 = tpu.memref_slice %dma_wait3A_40[%mul3A_25, %dma_wait3A_41] : memref<10000x32xf32, #tpu.memory_space<hbm>> -> memref<624x32xf32, #tpu.memory_space<hbm>>
      %dma_wait3A_43 = arith.constant 0 : i32
      %dma_wait3A_44 = tpu.memref_slice %arg13[%mul3A_23, %dma_wait3A_43] : memref<10000x32xf32, #tpu.memory_space<vmem_shared>> -> memref<624x32xf32, #tpu.memory_space<vmem_shared>>
      tpu.wait_dma2 semaphore(%run_scoped3A : memref<!tpu.dma_semaphore, #tpu.memory_space<semaphore_mem>>) src(%dma_wait3A_44 : memref<624x32xf32, #tpu.memory_space<vmem_shared>>) dst(%dma_wait3A_42 : memref<624x32xf32, #tpu.memory_space<hbm>>)
      tpu.yield
    }) : () -> ()
    %eq3A_26 = arith.constant 15 : i32
    %eq3A_27 = arith.cmpi eq, %arg1, %eq3A_26 : i32
    %convert_element_type3A_28 = arith.extui %eq3A_27 : i1 to i32
    %cond3A_29 = arith.constant 0 : i32
    %cond3A_30 = arith.cmpi ne, %convert_element_type3A_28, %cond3A_29 : i32
    scf.if %cond3A_30 {
      "tpu.region"() ({
        %run_scoped3A = tpu.sem_alloc : memref<!tpu.dma_semaphore, #tpu.memory_space<semaphore_mem>>
        %dma_start3A = arith.constant 0 : i32
        %dma_start3A_31 = arith.constant 0 : i32
        %dma_start3A_32 = tpu.memref_slice %arg7[%arg0, %dma_start3A, %dma_start3A_31] : memref<2x10000x32xf32, #tpu.memory_space<hbm>> -> memref<1x10000x32xf32, #tpu.memory_space<hbm>>
        %dma_start3A_33 = tpu.memref_squeeze %dma_start3A_32 : memref<1x10000x32xf32, #tpu.memory_space<hbm>> -> memref<10000x32xf32, #tpu.memory_space<hbm>>
        %dma_start3A_34 = arith.constant 9984 : i32
        %dma_start3A_35 = arith.constant 0 : i32
        %dma_start3A_36 = tpu.memref_slice %dma_start3A_33[%dma_start3A_34, %dma_start3A_35] : memref<10000x32xf32, #tpu.memory_space<hbm>> -> memref<16x32xf32, #tpu.memory_space<hbm>>
        %dma_start3A_37 = arith.constant 9984 : i32
        %dma_start3A_38 = arith.constant 0 : i32
        %dma_start3A_39 = tpu.memref_slice %arg12[%dma_start3A_37, %dma_start3A_38] : memref<10000x32xf32, #tpu.memory_space<vmem_shared>> -> memref<16x32xf32, #tpu.memory_space<vmem_shared>>
        tpu.enqueue_dma source(%dma_start3A_39 : memref<16x32xf32, #tpu.memory_space<vmem_shared>>) target(%dma_start3A_36 : memref<16x32xf32, #tpu.memory_space<hbm>>) target_semaphore(%run_scoped3A : memref<!tpu.dma_semaphore, #tpu.memory_space<semaphore_mem>>)
        %dma_wait3A = arith.constant 0 : i32
        %dma_wait3A_40 = arith.constant 0 : i32
        %dma_wait3A_41 = tpu.memref_slice %arg7[%arg0, %dma_wait3A, %dma_wait3A_40] : memref<2x10000x32xf32, #tpu.memory_space<hbm>> -> memref<1x10000x32xf32, #tpu.memory_space<hbm>>
        %dma_wait3A_42 = tpu.memref_squeeze %dma_wait3A_41 : memref<1x10000x32xf32, #tpu.memory_space<hbm>> -> memref<10000x32xf32, #tpu.memory_space<hbm>>
        %dma_wait3A_43 = arith.constant 9984 : i32
        %dma_wait3A_44 = arith.constant 0 : i32
        %dma_wait3A_45 = tpu.memref_slice %dma_wait3A_42[%dma_wait3A_43, %dma_wait3A_44] : memref<10000x32xf32, #tpu.memory_space<hbm>> -> memref<16x32xf32, #tpu.memory_space<hbm>>
        %dma_wait3A_46 = arith.constant 9984 : i32
        %dma_wait3A_47 = arith.constant 0 : i32
        %dma_wait3A_48 = tpu.memref_slice %arg12[%dma_wait3A_46, %dma_wait3A_47] : memref<10000x32xf32, #tpu.memory_space<vmem_shared>> -> memref<16x32xf32, #tpu.memory_space<vmem_shared>>
        tpu.wait_dma2 semaphore(%run_scoped3A : memref<!tpu.dma_semaphore, #tpu.memory_space<semaphore_mem>>) src(%dma_wait3A_48 : memref<16x32xf32, #tpu.memory_space<vmem_shared>>) dst(%dma_wait3A_45 : memref<16x32xf32, #tpu.memory_space<hbm>>)
        tpu.yield
      }) : () -> ()
      "tpu.region"() ({
        %run_scoped3A = tpu.sem_alloc : memref<!tpu.dma_semaphore, #tpu.memory_space<semaphore_mem>>
        %dma_start3A = arith.constant 0 : i32
        %dma_start3A_31 = arith.constant 0 : i32
        %dma_start3A_32 = tpu.memref_slice %arg8[%arg0, %dma_start3A, %dma_start3A_31] : memref<2x10000x32xf32, #tpu.memory_space<hbm>> -> memref<1x10000x32xf32, #tpu.memory_space<hbm>>
        %dma_start3A_33 = tpu.memref_squeeze %dma_start3A_32 : memref<1x10000x32xf32, #tpu.memory_space<hbm>> -> memref<10000x32xf32, #tpu.memory_space<hbm>>
        %dma_start3A_34 = arith.constant 9984 : i32
        %dma_start3A_35 = arith.constant 0 : i32
        %dma_start3A_36 = tpu.memref_slice %dma_start3A_33[%dma_start3A_34, %dma_start3A_35] : memref<10000x32xf32, #tpu.memory_space<hbm>> -> memref<16x32xf32, #tpu.memory_space<hbm>>
        %dma_start3A_37 = arith.constant 9984 : i32
        %dma_start3A_38 = arith.constant 0 : i32
        %dma_start3A_39 = tpu.memref_slice %arg13[%dma_start3A_37, %dma_start3A_38] : memref<10000x32xf32, #tpu.memory_space<vmem_shared>> -> memref<16x32xf32, #tpu.memory_space<vmem_shared>>
        tpu.enqueue_dma source(%dma_start3A_39 : memref<16x32xf32, #tpu.memory_space<vmem_shared>>) target(%dma_start3A_36 : memref<16x32xf32, #tpu.memory_space<hbm>>) target_semaphore(%run_scoped3A : memref<!tpu.dma_semaphore, #tpu.memory_space<semaphore_mem>>)
        %dma_wait3A = arith.constant 0 : i32
        %dma_wait3A_40 = arith.constant 0 : i32
        %dma_wait3A_41 = tpu.memref_slice %arg8[%arg0, %dma_wait3A, %dma_wait3A_40] : memref<2x10000x32xf32, #tpu.memory_space<hbm>> -> memref<1x10000x32xf32, #tpu.memory_space<hbm>>
        %dma_wait3A_42 = tpu.memref_squeeze %dma_wait3A_41 : memref<1x10000x32xf32, #tpu.memory_space<hbm>> -> memref<10000x32xf32, #tpu.memory_space<hbm>>
        %dma_wait3A_43 = arith.constant 9984 : i32
        %dma_wait3A_44 = arith.constant 0 : i32
        %dma_wait3A_45 = tpu.memref_slice %dma_wait3A_42[%dma_wait3A_43, %dma_wait3A_44] : memref<10000x32xf32, #tpu.memory_space<hbm>> -> memref<16x32xf32, #tpu.memory_space<hbm>>
        %dma_wait3A_46 = arith.constant 9984 : i32
        %dma_wait3A_47 = arith.constant 0 : i32
        %dma_wait3A_48 = tpu.memref_slice %arg13[%dma_wait3A_46, %dma_wait3A_47] : memref<10000x32xf32, #tpu.memory_space<vmem_shared>> -> memref<16x32xf32, #tpu.memory_space<vmem_shared>>
        tpu.wait_dma2 semaphore(%run_scoped3A : memref<!tpu.dma_semaphore, #tpu.memory_space<semaphore_mem>>) src(%dma_wait3A_48 : memref<16x32xf32, #tpu.memory_space<vmem_shared>>) dst(%dma_wait3A_45 : memref<16x32xf32, #tpu.memory_space<hbm>>)
        tpu.yield
      }) : () -> ()
    } else {
    }
    return
  }
}

module attributes {stable_mosaic.version = 14 : i64} {
  func.func @_edge_body(%arg0: i32, %arg1: memref<2500x128xf32, #tpu.memory_space<vmem>>, %arg2: memref<2x1024xf32, #tpu.memory_space<vmem>>, %arg3: memref<1x1024xf32, #tpu.memory_space<vmem>>, %arg4: memref<1x1024xf32, #tpu.memory_space<vmem>>, %arg5: memref<1x1024xf32, #tpu.memory_space<vmem>>, %arg6: memref<1600x2xf32, #tpu.memory_space<vmem>>, %arg7: memref<1600x32xf32, #tpu.memory_space<vmem>>, %arg8: memref<32x1024xf32, #tpu.memory_space<vmem>>, %arg9: memref<1024x32xf32, #tpu.memory_space<vmem>>, %arg10: memref<1600x32xf32, #tpu.memory_space<vmem>>, %arg11: memref<3x1024xf32, #tpu.memory_space<vmem>>) attributes {dimension_semantics = [#tpu.dimension_semantics<arbitrary>], iteration_bounds = array<i64: 100>, scalar_prefetch = 0 : i64, scratch_operands = 1 : i64, tpu.core_type = #tpu.core_type<tc>, window_params = [{pipeline_mode = #tpu.pipeline_mode<synchronous>, transform_indices = @transform_0, window_bounds = array<i64: 2500, 128>}, {pipeline_mode = #tpu.pipeline_mode<synchronous>, transform_indices = @transform_1, window_bounds = array<i64: 2, 1024>}, {pipeline_mode = #tpu.pipeline_mode<synchronous>, transform_indices = @transform_2, window_bounds = array<i64: 1, 1024>}, {pipeline_mode = #tpu.pipeline_mode<synchronous>, transform_indices = @transform_3, window_bounds = array<i64: 1, 1024>}, {pipeline_mode = #tpu.pipeline_mode<synchronous>, transform_indices = @transform_4, window_bounds = array<i64: 1, 1024>}, {transform_indices = @transform_5, window_bounds = array<i64: 1600, 2>}, {transform_indices = @transform_6, window_bounds = array<i64: 1600, 32>}, {pipeline_mode = #tpu.pipeline_mode<synchronous>, transform_indices = @transform_7, window_bounds = array<i64: 32, 1024>}, {pipeline_mode = #tpu.pipeline_mode<synchronous>, transform_indices = @transform_8, window_bounds = array<i64: 1024, 32>}, {transform_indices = @transform_9, window_bounds = array<i64: 1600, 32>}]} {
    %eq3A = arith.constant 0 : i32
    %eq3A_0 = arith.cmpi eq, %arg0, %eq3A : i32
    %convert_element_type3A = arith.extui %eq3A_0 : i1 to i32
    %cond3A = arith.constant 0 : i32
    %cond3A_1 = arith.cmpi ne, %convert_element_type3A, %cond3A : i32
    scf.if %cond3A_1 {
      %get3A_38 = arith.constant 0 : index
      %get3A_39 = arith.constant 0 : index
      %get3A_40 = vector.load %arg1[%get3A_38, %get3A_39] : memref<2500x128xf32, #tpu.memory_space<vmem>>, vector<2500x128xf32>
      %iota3A = tpu.iota {dimensions = array<i32: 0>} : vector<2500x128xi32>
      %jit3A = arith.constant 2 : i32
      %eq3A_41 = arith.constant 0 : i32
      %eq3A_42 = arith.cmpi eq, %jit3A, %eq3A_41 : i32
      %jit3A_43 = arith.constant 1 : i32
      %select_n3A = arith.select %eq3A_42, %jit3A_43, %jit3A : i32
      %rem3A = vector.broadcast %select_n3A : i32 to vector<2500x128xi32>
      %rem3A_44 = arith.remsi %iota3A, %rem3A : vector<2500x128xi32>
      %ne3A = arith.constant 0 : i32
      %ne3A_45 = vector.broadcast %ne3A : i32 to vector<2500x128xi32>
      %ne3A_46 = arith.cmpi ne, %rem3A_44, %ne3A_45 : vector<2500x128xi32>
      %lt3A = arith.constant 0 : i32
      %lt3A_47 = vector.broadcast %lt3A : i32 to vector<2500x128xi32>
      %lt3A_48 = arith.cmpi slt, %rem3A_44, %lt3A_47 : vector<2500x128xi32>
      %lt3A_49 = arith.constant 0 : i32
      %lt3A_50 = arith.cmpi slt, %select_n3A, %lt3A_49 : i32
      %ne3A_51 = vector.broadcast %lt3A_50 : i1 to vector<2500x128xi1>
      %ne3A_52 = vector.broadcast %ne3A_51 : vector<2500x128xi1> to vector<2500x128xi1>
      %ne3A_53 = arith.xori %lt3A_48, %ne3A_52 : vector<2500x128xi1>
      %and3A = arith.andi %ne3A_53, %ne3A_46 : vector<2500x128xi1>
      %add3A_54 = vector.broadcast %select_n3A : i32 to vector<2500x128xi32>
      %add3A_55 = arith.addi %rem3A_44, %add3A_54 : vector<2500x128xi32>
      %select_n3A_56 = arith.select %and3A, %add3A_55, %rem3A_44 : vector<2500x128xi1>, vector<2500x128xi32>
      %eq3A_57 = arith.constant 0 : i32
      %eq3A_58 = vector.broadcast %eq3A_57 : i32 to vector<2500x128xi32>
      %eq3A_59 = arith.cmpi eq, %select_n3A_56, %eq3A_58 : vector<2500x128xi32>
      %jit3A_60 = arith.constant 0.000000e+00 : f32
      %broadcast_in_dim3A = vector.broadcast %jit3A_60 : f32 to vector<2500x128xf32>
      %select_n3A_61 = arith.select %eq3A_59, %get3A_40, %broadcast_in_dim3A : vector<2500x128xi1>, vector<2500x128xf32>
      %slice3A = vector.extract_strided_slice %get3A_40 {offsets = [1, 0], sizes = [2499, 128], strides = [1, 1]} : vector<2500x128xf32> to vector<2499x128xf32>
      %slice3A_62 = vector.extract_strided_slice %get3A_40 {offsets = [0, 0], sizes = [1, 128], strides = [1, 1]} : vector<2500x128xf32> to vector<1x128xf32>
      %concatenate3A = tpu.concatenate %slice3A, %slice3A_62 in 0 : vector<2499x128xf32>, vector<1x128xf32> -> vector<2500x128xf32>
      %jit3A_63 = arith.constant 0.000000e+00 : f32
      %broadcast_in_dim3A_64 = vector.broadcast %jit3A_63 : f32 to vector<2500x128xf32>
      %select_n3A_65 = arith.select %eq3A_59, %concatenate3A, %broadcast_in_dim3A_64 : vector<2500x128xi1>, vector<2500x128xf32>
      %reduce_sum3A = vector.shape_cast %get3A_40 : vector<2500x128xf32> to vector<1x2500x128xf32>
      %reduce_sum3A_66 = arith.constant dense<0.000000e+00> : vector<1xf32>
      %reduce_sum3A_67 = vector.multi_reduction <add>, %reduce_sum3A, %reduce_sum3A_66 [1, 2] : vector<1x2500x128xf32> to vector<1xf32>
      %reduce_sum3A_68 = vector.shape_cast %reduce_sum3A_67 : vector<1xf32> to vector<1x1x1xf32>
      %reduce_sum3A_69 = vector.extract %reduce_sum3A_68[0, 0, 0] : f32 from vector<1x1x1xf32>
      %mul3A_70 = arith.constant 6.250000e-06 : f32
      %mul3A_71 = arith.mulf %reduce_sum3A_69, %mul3A_70 : f32
      %reduce_sum3A_72 = vector.shape_cast %select_n3A_61 : vector<2500x128xf32> to vector<1x2500x128xf32>
      %reduce_sum3A_73 = arith.constant dense<0.000000e+00> : vector<1xf32>
      %reduce_sum3A_74 = vector.multi_reduction <add>, %reduce_sum3A_72, %reduce_sum3A_73 [1, 2] : vector<1x2500x128xf32> to vector<1xf32>
      %reduce_sum3A_75 = vector.shape_cast %reduce_sum3A_74 : vector<1xf32> to vector<1x1x1xf32>
      %reduce_sum3A_76 = vector.extract %reduce_sum3A_75[0, 0, 0] : f32 from vector<1x1x1xf32>
      %mul3A_77 = arith.constant 6.250000e-06 : f32
      %mul3A_78 = arith.mulf %reduce_sum3A_76, %mul3A_77 : f32
      %sub3A = arith.subf %mul3A_71, %mul3A_78 : f32
      %mul3A_79 = arith.mulf %get3A_40, %get3A_40 : vector<2500x128xf32>
      %reduce_sum3A_80 = vector.shape_cast %mul3A_79 : vector<2500x128xf32> to vector<1x2500x128xf32>
      %reduce_sum3A_81 = arith.constant dense<0.000000e+00> : vector<1xf32>
      %reduce_sum3A_82 = vector.multi_reduction <add>, %reduce_sum3A_80, %reduce_sum3A_81 [1, 2] : vector<1x2500x128xf32> to vector<1xf32>
      %reduce_sum3A_83 = vector.shape_cast %reduce_sum3A_82 : vector<1xf32> to vector<1x1x1xf32>
      %reduce_sum3A_84 = vector.extract %reduce_sum3A_83[0, 0, 0] : f32 from vector<1x1x1xf32>
      %mul3A_85 = arith.constant 6.250000e-06 : f32
      %mul3A_86 = arith.mulf %reduce_sum3A_84, %mul3A_85 : f32
      %mul3A_87 = arith.mulf %select_n3A_61, %select_n3A_61 : vector<2500x128xf32>
      %reduce_sum3A_88 = vector.shape_cast %mul3A_87 : vector<2500x128xf32> to vector<1x2500x128xf32>
      %reduce_sum3A_89 = arith.constant dense<0.000000e+00> : vector<1xf32>
      %reduce_sum3A_90 = vector.multi_reduction <add>, %reduce_sum3A_88, %reduce_sum3A_89 [1, 2] : vector<1x2500x128xf32> to vector<1xf32>
      %reduce_sum3A_91 = vector.shape_cast %reduce_sum3A_90 : vector<1xf32> to vector<1x1x1xf32>
      %reduce_sum3A_92 = vector.extract %reduce_sum3A_91[0, 0, 0] : f32 from vector<1x1x1xf32>
      %mul3A_93 = arith.constant 6.250000e-06 : f32
      %mul3A_94 = arith.mulf %reduce_sum3A_92, %mul3A_93 : f32
      %mul3A_95 = arith.mulf %mul3A_78, %mul3A_78 : f32
      %sub3A_96 = arith.subf %mul3A_94, %mul3A_95 : f32
      %sub3A_97 = arith.subf %mul3A_86, %mul3A_94 : f32
      %mul3A_98 = arith.mulf %sub3A, %sub3A : f32
      %sub3A_99 = arith.subf %sub3A_97, %mul3A_98 : f32
      %mul3A_100 = arith.mulf %select_n3A_61, %select_n3A_65 : vector<2500x128xf32>
      %reduce_sum3A_101 = vector.shape_cast %mul3A_100 : vector<2500x128xf32> to vector<1x2500x128xf32>
      %reduce_sum3A_102 = arith.constant dense<0.000000e+00> : vector<1xf32>
      %reduce_sum3A_103 = vector.multi_reduction <add>, %reduce_sum3A_101, %reduce_sum3A_102 [1, 2] : vector<1x2500x128xf32> to vector<1xf32>
      %reduce_sum3A_104 = vector.shape_cast %reduce_sum3A_103 : vector<1xf32> to vector<1x1x1xf32>
      %reduce_sum3A_105 = vector.extract %reduce_sum3A_104[0, 0, 0] : f32 from vector<1x1x1xf32>
      %mul3A_106 = arith.constant 6.250000e-06 : f32
      %mul3A_107 = arith.mulf %reduce_sum3A_105, %mul3A_106 : f32
      %mul3A_108 = arith.mulf %mul3A_78, %sub3A : f32
      %sub3A_109 = arith.subf %mul3A_107, %mul3A_108 : f32
      %get3A_110 = arith.constant 0 : index
      %get3A_111 = arith.constant 0 : index
      %get3A_112 = vector.load %arg2[%get3A_110, %get3A_111] : memref<2x1024xf32, #tpu.memory_space<vmem>>, vector<1x1024xf32>
      %get3A_113 = arith.constant 1 : index
      %get3A_114 = arith.constant 0 : index
      %get3A_115 = vector.load %arg2[%get3A_113, %get3A_114] : memref<2x1024xf32, #tpu.memory_space<vmem>>, vector<1x1024xf32>
      %mul3A_116 = vector.broadcast %mul3A_78 : f32 to vector<1x1024xf32>
      %mul3A_117 = arith.mulf %mul3A_116, %get3A_112 : vector<1x1024xf32>
      %mul3A_118 = vector.broadcast %sub3A : f32 to vector<1x1024xf32>
      %mul3A_119 = arith.mulf %mul3A_118, %get3A_115 : vector<1x1024xf32>
      %add3A_120 = arith.addf %mul3A_117, %mul3A_119 : vector<1x1024xf32>
      %get3A_121 = arith.constant 0 : index
      %get3A_122 = arith.constant 0 : index
      %get3A_123 = vector.load %arg3[%get3A_121, %get3A_122] : memref<1x1024xf32, #tpu.memory_space<vmem>>, vector<1x1024xf32>
      %add3A_124 = arith.addf %add3A_120, %get3A_123 : vector<1x1024xf32>
      %mul3A_125 = vector.broadcast %sub3A_96 : f32 to vector<1x1024xf32>
      %mul3A_126 = arith.mulf %mul3A_125, %get3A_112 : vector<1x1024xf32>
      %mul3A_127 = arith.mulf %mul3A_126, %get3A_112 : vector<1x1024xf32>
      %mul3A_128 = arith.constant 2.000000e+00 : f32
      %mul3A_129 = arith.mulf %mul3A_128, %sub3A_109 : f32
      %mul3A_130 = vector.broadcast %mul3A_129 : f32 to vector<1x1024xf32>
      %mul3A_131 = arith.mulf %mul3A_130, %get3A_112 : vector<1x1024xf32>
      %mul3A_132 = arith.mulf %mul3A_131, %get3A_115 : vector<1x1024xf32>
      %add3A_133 = arith.addf %mul3A_127, %mul3A_132 : vector<1x1024xf32>
      %mul3A_134 = vector.broadcast %sub3A_99 : f32 to vector<1x1024xf32>
      %mul3A_135 = arith.mulf %mul3A_134, %get3A_115 : vector<1x1024xf32>
      %mul3A_136 = arith.mulf %mul3A_135, %get3A_115 : vector<1x1024xf32>
      %add3A_137 = arith.addf %add3A_133, %mul3A_136 : vector<1x1024xf32>
      %get3A_138 = arith.constant 0 : index
      %get3A_139 = arith.constant 0 : index
      %get3A_140 = vector.load %arg4[%get3A_138, %get3A_139] : memref<1x1024xf32, #tpu.memory_space<vmem>>, vector<1x1024xf32>
      %add3A_141 = arith.constant 9.99999974E-6 : f32
      %add3A_142 = vector.broadcast %add3A_141 : f32 to vector<1x1024xf32>
      %add3A_143 = arith.addf %add3A_137, %add3A_142 : vector<1x1024xf32>
      %rsqrt3A = math.rsqrt %add3A_143 : vector<1x1024xf32>
      %mul3A_144 = arith.mulf %get3A_140, %rsqrt3A : vector<1x1024xf32>
      %mul3A_145 = arith.mulf %mul3A_144, %get3A_112 : vector<1x1024xf32>
      %swap3A_146 = arith.constant 0 : index
      %swap3A_147 = arith.constant 0 : index
      %swap3A_148 = vector.load %arg11[%swap3A_146, %swap3A_147] : memref<3x1024xf32, #tpu.memory_space<vmem>>, vector<1x1024xf32>
      tpu.vector_store %arg11[%swap3A_146, %swap3A_147], %mul3A_145 {strides = array<i32>} : memref<3x1024xf32, #tpu.memory_space<vmem>>, vector<1x1024xf32>,
      %mul3A_149 = arith.mulf %mul3A_144, %get3A_115 : vector<1x1024xf32>
      %swap3A_150 = arith.constant 1 : index
      %swap3A_151 = arith.constant 0 : index
      %swap3A_152 = vector.load %arg11[%swap3A_150, %swap3A_151] : memref<3x1024xf32, #tpu.memory_space<vmem>>, vector<1x1024xf32>
      tpu.vector_store %arg11[%swap3A_150, %swap3A_151], %mul3A_149 {strides = array<i32>} : memref<3x1024xf32, #tpu.memory_space<vmem>>, vector<1x1024xf32>,
      %get3A_153 = arith.constant 0 : index
      %get3A_154 = arith.constant 0 : index
      %get3A_155 = vector.load %arg3[%get3A_153, %get3A_154] : memref<1x1024xf32, #tpu.memory_space<vmem>>, vector<1x1024xf32>
      %sub3A_156 = arith.subf %get3A_155, %add3A_124 : vector<1x1024xf32>
      %mul3A_157 = arith.mulf %sub3A_156, %mul3A_144 : vector<1x1024xf32>
      %get3A_158 = arith.constant 0 : index
      %get3A_159 = arith.constant 0 : index
      %get3A_160 = vector.load %arg5[%get3A_158, %get3A_159] : memref<1x1024xf32, #tpu.memory_space<vmem>>, vector<1x1024xf32>
      %add3A_161 = arith.addf %mul3A_157, %get3A_160 : vector<1x1024xf32>
      %swap3A_162 = arith.constant 2 : index
      %swap3A_163 = arith.constant 0 : index
      %swap3A_164 = vector.load %arg11[%swap3A_162, %swap3A_163] : memref<3x1024xf32, #tpu.memory_space<vmem>>, vector<1x1024xf32>
      tpu.vector_store %arg11[%swap3A_162, %swap3A_163], %add3A_161 {strides = array<i32>} : memref<3x1024xf32, #tpu.memory_space<vmem>>, vector<1x1024xf32>,
    } else {
    }
    %get3A = arith.constant 0 : index
    %get3A_2 = arith.constant 0 : index
    %get3A_3 = vector.load %arg6[%get3A, %get3A_2] : memref<1600x2xf32, #tpu.memory_space<vmem>>, vector<1600x1xf32>
    %get3A_4 = arith.constant 0 : index
    %get3A_5 = arith.constant 1 : index
    %get3A_6 = vector.load %arg6[%get3A_4, %get3A_5] : memref<1600x2xf32, #tpu.memory_space<vmem>>, vector<1600x1xf32>
    %get3A_7 = arith.constant 0 : index
    %get3A_8 = arith.constant 0 : index
    %get3A_9 = vector.load %arg11[%get3A_7, %get3A_8] : memref<3x1024xf32, #tpu.memory_space<vmem>>, vector<1x1024xf32>
    %mul3A = vector.broadcast %get3A_3 : vector<1600x1xf32> to vector<1600x1024xf32>
    %mul3A_10 = vector.broadcast %get3A_9 : vector<1x1024xf32> to vector<1600x1024xf32>
    %mul3A_11 = arith.mulf %mul3A, %mul3A_10 : vector<1600x1024xf32>
    %get3A_12 = arith.constant 1 : index
    %get3A_13 = arith.constant 0 : index
    %get3A_14 = vector.load %arg11[%get3A_12, %get3A_13] : memref<3x1024xf32, #tpu.memory_space<vmem>>, vector<1x1024xf32>
    %mul3A_15 = vector.broadcast %get3A_6 : vector<1600x1xf32> to vector<1600x1024xf32>
    %mul3A_16 = vector.broadcast %get3A_14 : vector<1x1024xf32> to vector<1600x1024xf32>
    %mul3A_17 = arith.mulf %mul3A_15, %mul3A_16 : vector<1600x1024xf32>
    %add3A = arith.addf %mul3A_11, %mul3A_17 : vector<1600x1024xf32>
    %get3A_18 = arith.constant 2 : index
    %get3A_19 = arith.constant 0 : index
    %get3A_20 = vector.load %arg11[%get3A_18, %get3A_19] : memref<3x1024xf32, #tpu.memory_space<vmem>>, vector<1x1024xf32>
    %add3A_21 = vector.broadcast %get3A_20 : vector<1x1024xf32> to vector<1600x1024xf32>
    %add3A_22 = arith.addf %add3A, %add3A_21 : vector<1600x1024xf32>
    %tanh3A = math.tanh %add3A_22 : vector<1600x1024xf32>
    %get3A_23 = arith.constant 0 : index
    %get3A_24 = arith.constant 0 : index
    %get3A_25 = vector.load %arg7[%get3A_23, %get3A_24] : memref<1600x32xf32, #tpu.memory_space<vmem>>, vector<1600x32xf32>
    %get3A_26 = arith.constant 0 : index
    %get3A_27 = arith.constant 0 : index
    %get3A_28 = vector.load %arg8[%get3A_26, %get3A_27] : memref<32x1024xf32, #tpu.memory_space<vmem>>, vector<32x1024xf32>
    %dot_general3A = arith.constant dense<0.000000e+00> : vector<1600x1024xf32>
    %dot_general3A_29 = tpu.matmul %get3A_25, %get3A_28, %dot_general3A {dimension_numbers = #tpu.dot_dimension_numbers<[1], [0], [0], [1], [0, 0, 1, 1], [], []>, transpose_lhs_hint = false} : vector<1600x32xf32>, vector<32x1024xf32>, vector<1600x1024xf32> -> vector<1600x1024xf32>
    %mul3A_30 = arith.mulf %dot_general3A_29, %tanh3A : vector<1600x1024xf32>
    %get3A_31 = arith.constant 0 : index
    %get3A_32 = arith.constant 0 : index
    %get3A_33 = vector.load %arg9[%get3A_31, %get3A_32] : memref<1024x32xf32, #tpu.memory_space<vmem>>, vector<1024x32xf32>
    %dot_general3A_34 = arith.constant dense<0.000000e+00> : vector<1600x32xf32>
    %dot_general3A_35 = tpu.matmul %mul3A_30, %get3A_33, %dot_general3A_34 {dimension_numbers = #tpu.dot_dimension_numbers<[1], [0], [0], [1], [0, 0, 1, 1], [], []>, transpose_lhs_hint = false} : vector<1600x1024xf32>, vector<1024x32xf32>, vector<1600x32xf32> -> vector<1600x32xf32>
    %swap3A = arith.constant 0 : index
    %swap3A_36 = arith.constant 0 : index
    %swap3A_37 = vector.load %arg10[%swap3A, %swap3A_36] : memref<1600x32xf32, #tpu.memory_space<vmem>>, vector<1600x32xf32>
    tpu.vector_store %arg10[%swap3A, %swap3A_36], %dot_general3A_35 {strides = array<i32>} : memref<1600x32xf32, #tpu.memory_space<vmem>>, vector<1600x32xf32>,
    return
  }
  func.func @transform_0(%arg0: i32) -> (i32, i32) {
    %c0_i32 = arith.constant 0 : i32
    %c0_i32_0 = arith.constant 0 : i32
    %c0_i32_1 = arith.constant 0 : i32
    return %c0_i32, %c0_i32_0 : i32, i32
  }
  func.func @transform_1(%arg0: i32) -> (i32, i32) {
    %c0_i32 = arith.constant 0 : i32
    %c0_i32_0 = arith.constant 0 : i32
    %c0_i32_1 = arith.constant 0 : i32
    return %c0_i32, %c0_i32_0 : i32, i32
  }
  func.func @transform_2(%arg0: i32) -> (i32, i32) {
    %c0_i32 = arith.constant 0 : i32
    %c0_i32_0 = arith.constant 0 : i32
    %c0_i32_1 = arith.constant 0 : i32
    return %c0_i32, %c0_i32_0 : i32, i32
  }
  func.func @transform_3(%arg0: i32) -> (i32, i32) {
    %c0_i32 = arith.constant 0 : i32
    %c0_i32_0 = arith.constant 0 : i32
    %c0_i32_1 = arith.constant 0 : i32
    return %c0_i32, %c0_i32_0 : i32, i32
  }
  func.func @transform_4(%arg0: i32) -> (i32, i32) {
    %c0_i32 = arith.constant 0 : i32
    %c0_i32_0 = arith.constant 0 : i32
    %c0_i32_1 = arith.constant 0 : i32
    return %c0_i32, %c0_i32_0 : i32, i32
  }
  func.func @transform_5(%arg0: i32) -> (i32, i32) {
    %c0_i32 = arith.constant 0 : i32
    %c0_i32_0 = arith.constant 0 : i32
    return %arg0, %c0_i32 : i32, i32
  }
  func.func @transform_6(%arg0: i32) -> (i32, i32) {
    %c0_i32 = arith.constant 0 : i32
    %c0_i32_0 = arith.constant 0 : i32
    return %arg0, %c0_i32 : i32, i32
  }
  func.func @transform_7(%arg0: i32) -> (i32, i32) {
    %c0_i32 = arith.constant 0 : i32
    %c0_i32_0 = arith.constant 0 : i32
    %c0_i32_1 = arith.constant 0 : i32
    return %c0_i32, %c0_i32_0 : i32, i32
  }
  func.func @transform_8(%arg0: i32) -> (i32, i32) {
    %c0_i32 = arith.constant 0 : i32
    %c0_i32_0 = arith.constant 0 : i32
    %c0_i32_1 = arith.constant 0 : i32
    return %c0_i32, %c0_i32_0 : i32, i32
  }
  func.func @transform_9(%arg0: i32) -> (i32, i32) {
    %c0_i32 = arith.constant 0 : i32
    %c0_i32_0 = arith.constant 0 : i32
    return %arg0, %c0_i32 : i32, i32
  }
}

module attributes {stable_mosaic.version = 14 : i64} {
  func.func @_final_body(%arg0: i32, %arg1: memref<2500x128xf32, #tpu.memory_space<vmem>>, %arg2: memref<2500x128xf32, #tpu.memory_space<vmem>>, %arg3: memref<2500x128xf32, #tpu.memory_space<vmem>>, %arg4: memref<2500x128xf32, #tpu.memory_space<vmem>>, %arg5: memref<2500x128xf32, #tpu.memory_space<vmem>>, %arg6: memref<128x128xf32, #tpu.memory_space<vmem>>, %arg7: memref<1x128xf32, #tpu.memory_space<vmem>>, %arg8: memref<2500x128xf32, #tpu.memory_space<vmem>>) attributes {dimension_semantics = [#tpu.dimension_semantics<arbitrary>], iteration_bounds = array<i64: 1>, scalar_prefetch = 0 : i64, scratch_operands = 0 : i64, tpu.core_type = #tpu.core_type<tc>, window_params = [{transform_indices = @transform_0, window_bounds = array<i64: 2500, 128>}, {transform_indices = @transform_1, window_bounds = array<i64: 2500, 128>}, {transform_indices = @transform_2, window_bounds = array<i64: 2500, 128>}, {transform_indices = @transform_3, window_bounds = array<i64: 2500, 128>}, {transform_indices = @transform_4, window_bounds = array<i64: 2500, 128>}, {pipeline_mode = #tpu.pipeline_mode<synchronous>, transform_indices = @transform_5, window_bounds = array<i64: 128, 128>}, {pipeline_mode = #tpu.pipeline_mode<synchronous>, transform_indices = @transform_6, window_bounds = array<i64: 1, 128>}, {transform_indices = @transform_7, window_bounds = array<i64: 2500, 128>}]} {
    %get3A = arith.constant 0 : index
    %get3A_0 = arith.constant 0 : index
    %get3A_1 = vector.load %arg4[%get3A, %get3A_0] : memref<2500x128xf32, #tpu.memory_space<vmem>>, vector<2500x128xf32>
    %get3A_2 = arith.constant 0 : index
    %get3A_3 = arith.constant 0 : index
    %get3A_4 = vector.load %arg5[%get3A_2, %get3A_3] : memref<2500x128xf32, #tpu.memory_space<vmem>>, vector<2500x128xf32>
    %add3A = arith.addf %get3A_1, %get3A_4 : vector<2500x128xf32>
    %max3A = arith.constant 1.000000e+00 : f32
    %max3A_5 = vector.broadcast %max3A : f32 to vector<2500x128xf32>
    %max3A_6 = arith.maximumf %add3A, %max3A_5 : vector<2500x128xf32>
    %get3A_7 = arith.constant 0 : index
    %get3A_8 = arith.constant 0 : index
    %get3A_9 = vector.load %arg2[%get3A_7, %get3A_8] : memref<2500x128xf32, #tpu.memory_space<vmem>>, vector<2500x128xf32>
    %get3A_10 = arith.constant 0 : index
    %get3A_11 = arith.constant 0 : index
    %get3A_12 = vector.load %arg3[%get3A_10, %get3A_11] : memref<2500x128xf32, #tpu.memory_space<vmem>>, vector<2500x128xf32>
    %add3A_13 = arith.addf %get3A_9, %get3A_12 : vector<2500x128xf32>
    %div3A = arith.divf %add3A_13, %max3A_6 : vector<2500x128xf32>
    %get3A_14 = arith.constant 0 : index
    %get3A_15 = arith.constant 0 : index
    %get3A_16 = vector.load %arg1[%get3A_14, %get3A_15] : memref<2500x128xf32, #tpu.memory_space<vmem>>, vector<2500x128xf32>
    %get3A_17 = arith.constant 0 : index
    %get3A_18 = arith.constant 0 : index
    %get3A_19 = vector.load %arg6[%get3A_17, %get3A_18] : memref<128x128xf32, #tpu.memory_space<vmem>>, vector<128x128xf32>
    %dot_general3A = arith.constant dense<0.000000e+00> : vector<2500x128xf32>
    %dot_general3A_20 = tpu.matmul %get3A_16, %get3A_19, %dot_general3A {dimension_numbers = #tpu.dot_dimension_numbers<[1], [0], [0], [1], [0, 0, 1, 1], [], []>, transpose_lhs_hint = false} : vector<2500x128xf32>, vector<128x128xf32>, vector<2500x128xf32> -> vector<2500x128xf32>
    %add3A_21 = arith.addf %div3A, %dot_general3A_20 : vector<2500x128xf32>
    %get3A_22 = arith.constant 0 : index
    %get3A_23 = arith.constant 0 : index
    %get3A_24 = vector.load %arg7[%get3A_22, %get3A_23] : memref<1x128xf32, #tpu.memory_space<vmem>>, vector<1x128xf32>
    %add3A_25 = vector.broadcast %get3A_24 : vector<1x128xf32> to vector<2500x128xf32>
    %add3A_26 = arith.addf %add3A_21, %add3A_25 : vector<2500x128xf32>
    %ge3A = arith.constant 0.000000e+00 : f32
    %ge3A_27 = vector.broadcast %ge3A : f32 to vector<2500x128xf32>
    %ge3A_28 = arith.cmpf oge, %add3A_26, %ge3A_27 : vector<2500x128xf32>
    %mul3A = arith.constant 0.00999999977 : f32
    %mul3A_29 = vector.broadcast %mul3A : f32 to vector<2500x128xf32>
    %mul3A_30 = arith.mulf %mul3A_29, %add3A_26 : vector<2500x128xf32>
    %select_n3A = arith.select %ge3A_28, %add3A_26, %mul3A_30 : vector<2500x128xi1>, vector<2500x128xf32>
    %swap3A = arith.constant 0 : index
    %swap3A_31 = arith.constant 0 : index
    %swap3A_32 = vector.load %arg8[%swap3A, %swap3A_31] : memref<2500x128xf32, #tpu.memory_space<vmem>>, vector<2500x128xf32>
    tpu.vector_store %arg8[%swap3A, %swap3A_31], %select_n3A {strides = array<i32>} : memref<2500x128xf32, #tpu.memory_space<vmem>>, vector<2500x128xf32>,
    return
  }
  func.func @transform_0(%arg0: i32) -> (i32, i32) {
    %c0_i32 = arith.constant 0 : i32
    %c0_i32_0 = arith.constant 0 : i32
    return %arg0, %c0_i32 : i32, i32
  }
  func.func @transform_1(%arg0: i32) -> (i32, i32) {
    %c0_i32 = arith.constant 0 : i32
    %c0_i32_0 = arith.constant 0 : i32
    return %arg0, %c0_i32 : i32, i32
  }
  func.func @transform_2(%arg0: i32) -> (i32, i32) {
    %c0_i32 = arith.constant 0 : i32
    %c0_i32_0 = arith.constant 0 : i32
    return %arg0, %c0_i32 : i32, i32
  }
  func.func @transform_3(%arg0: i32) -> (i32, i32) {
    %c0_i32 = arith.constant 0 : i32
    %c0_i32_0 = arith.constant 0 : i32
    return %arg0, %c0_i32 : i32, i32
  }
  func.func @transform_4(%arg0: i32) -> (i32, i32) {
    %c0_i32 = arith.constant 0 : i32
    %c0_i32_0 = arith.constant 0 : i32
    return %arg0, %c0_i32 : i32, i32
  }
  func.func @transform_5(%arg0: i32) -> (i32, i32) {
    %c0_i32 = arith.constant 0 : i32
    %c0_i32_0 = arith.constant 0 : i32
    %c0_i32_1 = arith.constant 0 : i32
    return %c0_i32, %c0_i32_0 : i32, i32
  }
  func.func @transform_6(%arg0: i32) -> (i32, i32) {
    %c0_i32 = arith.constant 0 : i32
    %c0_i32_0 = arith.constant 0 : i32
    %c0_i32_1 = arith.constant 0 : i32
    return %c0_i32, %c0_i32_0 : i32, i32
  }
  func.func @transform_7(%arg0: i32) -> (i32, i32) {
    %c0_i32 = arith.constant 0 : i32
    %c0_i32_0 = arith.constant 0 : i32
    return %arg0, %c0_i32 : i32, i32
  }
}

</mosaic_0001>

<sc_bundles>
// kernel: kernel.6.cloned.1.call-start
scs
__scs_entry_jumppad:
0x0: {  	(pc) =	sbr.rel $0x88, $3  }
0x1: {  	(tag) =	ssettag $0x0;
	lr =	simm.s32 $0x1  }
0x2: {  	[smem:$0x3F98] =	sst lr;
	_ =	strace $0xD0000000  }
0x3: {  	_ = 	snop  }
0x4: {  	_ = 	snop  }
0x5: {  	_ = 	snop  }
0x6: {  	_ = 	snop  }
0x7: {  	_ = 	snop  }
__scs_overlays_trampoline_lowered:
0x8: {  	[smem:$0x3FA7] =	sst s0  }
0x9: {  	[smem:$0x3FA8] =	sst s1  }
0xa: {  	[smem:$0x3FA9] =	sst s2  }
0xb: {  	[smem:$0x3FAA] =	sst s3  }
0xc: {  	[smem:$0x3FAB] =	sst s4  }
0xd: {  	[smem:$0x3FAC] =	sst s5  }
0xe: {  	[smem:$0x3FAD] =	sst s6  }
0xf: {  	[smem:$0x3FAE] =	sst s7  }
0x10: {  	[smem:$0x3FAF] =	sst s8  }
0x11: {  	[smem:$0x3FB0] =	sst s9;
	s0 =	simm.s32 @!p0 $0x0  }
0x12: {  	s1 =	sld [smem:$0x3F96];
	s0 =	simm.s32 @p0 $0x1  }
0x13: {  	[smem:$0x3FB1] =	sst s0;
	s0 =	simm.s32 @!p1 $0x0  }
0x14: {  	s2 =	sld [smem:$0x3F95];
	s0 =	simm.s32 @p1 $0x1  }
0x15: {  	[smem:$0x3FB2] =	sst s0;
	s0 =	simm.s32 @!p2 $0x0  }
0x16: {  	s3 =	sld [smem:$0x3FDB];
	s0 =	simm.s32 @p2 $0x1  }
0x17: {  	s4 =	simm.s32 $0x1BF5;
	[smem:$0x3FB4] =	sst s0  }
0x18: {  	s0 =	sld [smem:$0x3F97];
	_ =	swait.ge [sflag:s4], $0x0  }
0x19: {  	s7 =	sld [smem:$0x3F98]  }
0x1a: {  	s8 =	sadd.s32 $0xFFFFE003, lr  }
0x1b: {  	s9 =	sadd.s32 $0xFFFFFEF7, lr;
	s5 =	simm.s32 $0xFFFFFFFF;
	p2 =	slt.u32 s8, $0xFFFFF086  }
0x1c: {  	p1 =	slt.u32 s9, $0xF7A;
	s5 =	simm.s32 @!p2 $0x0  }
0x1d: {  	s5 =	simm.s32 @p1 $0x1;
	p0 =	seq.s32 s7, s2  }
0x1e: {  	s7 =	smul.u32 @!p0 $0xF7A, s2;
	p2 =	seq.s32 @!p0 s5, $0x0  }
0x1f: {  	s9 =	smul.u32 $0xF7A, s1;
	s8 =	simm.s32 @!p0 $0x1BF5;
	p2 =	por !p2, p0  }
0x20: {  	[sflag:s8] =	ssyncset.s32 @!p0 $0xFFFFF086;
	s6 =	sadd.s32 @!p0 s3, s7;
	s7 =	simm.s32 @!p0 $0x108  }
0x21: {  	s3 =	sadd.s32 s3, s9;
	s6 =	sadd.s32 @!p0 $0x88, s6;
	s7 =	simm.s32 @p2 $0x1082  }
0x22: {  	[simem:s7], [sflag:s8] =	dma.local @!p0 [hbm:s6], $0xF7A  }
0x23: {  	s9 =	sor.u32 $0xD0000000, s2;
	s6 =	simm.s32 $0x108;
	_ =	swait.ge @!p0 [sflag:s8], $0x0  }
0x24: {  	s3 =	sadd.s32 $0x88, s3;
	s6 =	simm.s32 @!p1 $0x1082;
	[sflag:s4] =	ssyncset.s32 $0xFFFFF086  }
0x25: {  	[simem:s6], [sflag:s4] =	dma.local [hbm:s3], $0xF7A  }
0x26: {  	[smem:$0x3F98] =	sst s1;
	(tag) =	ssettag s2;
	_ =	strace s9  }
0x27: {  	s1 =	sld [smem:$0x3FA8]  }
0x28: {  	s2 =	sld [smem:$0x3FA9]  }
0x29: {  	s4 =	sld [smem:$0x3FAB]  }
0x2a: {  	p0 =	seq.s32 s5, $0x0;
	s5 =	sld [smem:$0x3FAC]  }
0x2b: {  	s6 =	sld [smem:$0x3FAD]  }
0x2c: {  	s7 =	sld [smem:$0x3FAE]  }
0x2d: {  	s3 =	simm.s32 $0x108;
	s8 =	sld [smem:$0x3FAF]  }
0x2e: {  	s3 =	simm.s32 @!p0 $0x1082;
	s9 =	sld [smem:$0x3FB0]  }
0x2f: {  	lr =	sadd.s32 s0, s3;
	s0 =	sld [smem:$0x3FA7]  }
0x30: {  	s3 =	sld [smem:$0x3FAA]  }
0x31: {  	[smem:$0x3FB3] =	sst s10  }
0x32: {  	s10 =	sld [smem:$0x3FB1];
	_ =	sdelay $0x3  }
0x33: {  	p0 =	seq.s32 s10, $0x1;
	s10 =	sld [smem:$0x3FB3];
	_ =	sdelay $0x3  }
0x34: {  	[smem:$0x3FB3] =	sst s10  }
0x35: {  	s10 =	sld [smem:$0x3FB2];
	_ =	sdelay $0x3  }
0x36: {  	p1 =	seq.s32 s10, $0x1;
	s10 =	sld [smem:$0x3FB3];
	_ =	sdelay $0x3  }
0x37: {  	[smem:$0x3FB3] =	sst s10  }
0x38: {  	s10 =	sld [smem:$0x3FB4]  }
0x39: {  	_ = 	snop;
	(pc) =	sbr.ind lr, $3  }
0x3a: {  	_ = 	snop  }
0x3b: {  	_ = 	snop  }
0x3c: {  	p2 =	seq.s32 s10, $0x1;
	s10 =	sld [smem:$0x3FB3]  }
0x3d: {  	_ =	shalt  }
0x3e: {  	_ =	shalt  }
0x3f: {  	_ =	shalt  }
0x40: {  	_ =	shalt  }
0x41: {  	_ =	shalt  }
0x42: {  	_ =	shalt  }
0x43: {  	_ =	shalt  }
0x44: {  	_ =	shalt  }
0x45: {  	_ =	shalt  }
0x46: {  	_ =	shalt  }
0x47: {  	_ =	shalt  }
0x48: {  	_ =	shalt  }
0x49: {  	_ =	shalt  }
0x4a: {  	_ =	shalt  }
0x4b: {  	_ =	shalt  }
0x4c: {  	_ =	shalt  }
0x4d: {  	_ =	shalt  }
0x4e: {  	_ =	shalt  }
0x4f: {  	_ =	shalt  }
0x50: {  	_ =	shalt  }
0x51: {  	_ =	shalt  }
0x52: {  	_ =	shalt  }
0x53: {  	_ =	shalt  }
0x54: {  	_ =	shalt  }
0x55: {  	_ =	shalt  }
0x56: {  	_ =	shalt  }
0x57: {  	_ =	shalt  }
0x58: {  	_ =	shalt  }
0x59: {  	_ =	shalt  }
0x5a: {  	_ =	shalt  }
0x5b: {  	_ =	shalt  }
0x5c: {  	_ =	shalt  }
0x5d: {  	_ =	shalt  }
0x5e: {  	_ =	shalt  }
0x5f: {  	_ =	shalt  }
0x60: {  	_ =	shalt  }
0x61: {  	_ =	shalt  }
0x62: {  	_ =	shalt  }
0x63: {  	_ =	shalt  }
0x64: {  	_ =	shalt  }
0x65: {  	_ =	shalt  }
0x66: {  	_ =	shalt  }
0x67: {  	_ =	shalt  }
0x68: {  	_ =	shalt  }
0x69: {  	_ =	shalt  }
0x6a: {  	_ =	shalt  }
0x6b: {  	_ =	shalt  }
0x6c: {  	_ =	shalt  }
0x6d: {  	_ =	shalt  }
0x6e: {  	_ =	shalt  }
0x6f: {  	_ =	shalt  }
0x70: {  	_ =	shalt  }
0x71: {  	_ =	shalt  }
0x72: {  	_ =	shalt  }
0x73: {  	_ =	shalt  }
0x74: {  	_ =	shalt  }
0x75: {  	_ =	shalt  }
0x76: {  	_ =	shalt  }
0x77: {  	_ =	shalt  }
0x78: {  	_ =	shalt  }
0x79: {  	_ =	shalt  }
0x7a: {  	_ =	shalt  }
0x7b: {  	_ =	shalt  }
0x7c: {  	_ =	shalt  }
0x7d: {  	_ =	shalt  }
0x7e: {  	_ =	shalt  }
0x7f: {  	_ =	shalt  }
0x80: {  	_ =	shalt  }
0x81: {  	_ =	shalt  }
0x82: {  	_ =	shalt  }
0x83: {  	_ =	shalt  }
0x84: {  	_ =	shalt  }
0x85: {  	_ =	shalt  }
0x86: {  	_ =	shalt  }
0x87: {  	_ =	shalt  }
.Lfunc_end0:
.L_simem_size_0:
called_computation_lowered:
.L_overlay_start_0:
0x88: {  	s2 =	sld [smem:$0x3FD9]  }
0x89: {  	s3 =	sld [smem:$0x3FFE];
	_ =	sdelay $0x1  }
0x8a: {  	s1 =	srdreg.scid  }
0x8b: {  	s0 =	sand.u32 $0x1, s1  }
0x8c: {  	s17 =	sshll.u32 s0, $0xA;
	s2 =	sadd.s32 s3, s2  }
0x8d: {  	s2 =	sadd.s32 s2, s17  }
0x8e: {  	[smem:$0x3FBF] =	sst s2  }
0x8f: {  	_ = 	snop  }
0x90: {  	s2 =	sld [smem:$0x3FD0];
	(tm) =	ssettm $0x1  }
0x91: {  	s18 =	sld [smem:$0x3FFB];
	_ =	sdelay $0x3  }
0x92: {  	_ =	strace s18  }
0x93: {  	s3 =	sld [smem:$0x3FFC];
	_ =	sdelay $0x3  }
0x94: {  	_ =	strace s3  }
0x95: {  	s3 =	sld [smem:$0x3FFD];
	_ =	sdelay $0x3  }
0x96: {  	_ =	strace s3  }
0x97: {  	_ =	strace $0x8FFFFFFF  }
0x98: {  	s19 =	sld [smem:$0x3FDB];
	_ =	sdelay $0x1  }
0x99: {  	s4 =	simm.s32 $_scs_section_size  }
0x9a: {  	s5 =	simm.s32 $_size__tile_overlayer_lowered;
	s6 =	simm.s32 $_tile_overlayer_lowered  }
0x9b: {  	s22 =	simm.s32 $0x1BFF;
	s21 =	sshll.u32 s6, $0x1;
	s3 =	sadd.s32 s4, s19  }
0x9c: {  	s7 =	simm.s32 $0x0;
	s20 =	sshll.u32 s5, $0x1;
	s5 =	sadd.s32 s21, s3  }
0x9d: {  	[timem:s7], [sflag:s22] =	dma.local [hbm:s5], s20  }
0x9e: {  	_ =	swait.ge [sflag:s22], s20  }
0x9f: {  	s4 =	ssub.s32 $0x0, s20;
	[sflag:s22] =	ssyncset.done $0x0  }
0xa0: {  	[sflag:s22] =	ssyncadd.s32 s4;
	_ =	sdelay $0x1  }
0xa1: {  	s23 =	simm.s32 $0x1B8B  }
0xa2: {  	_ =	swait.ge [sflag:s23], $0x1  }
0xa3: {  	[sflag:s23] =	ssyncset.done $0x0  }
0xa4: {  	s25 =	simm.s32 $0x1B8E;
	s24 =	sld [smem:$0x3FFE];
	[sflag:s23] =	ssyncadd.s32 $0xFFFFFFFF  }
0xa5: {  	s26 =	simm.s32 $execute0_lowered;
	[smem:$0x3FD2] =	sst s25  }
0xa6: {  	s5 =	sshll.u32 s26, $0x1;
	_ =	strace $0x80000046;
	[dreg:$0x1] =	wrdreg $0xFFFFFFFF  }
0xa7: {  	s28 =	simm.s32 $_size_execute0_lowered;
	s3 =	sadd.s32 s3, s5;
	[dreg:$0x0] =	wrdreg $0x0  }
0xa8: {  	s5 =	sshll.u32 s28, $0x1;
	[dreg:$0x2] =	wrdreg s3  }
0xa9: {  	[dreg:$0x3] =	wrdreg s5  }
0xaa: {  	[dreg:$0x4] =	wrdreg $0xC0  }
0xab: {  	_ =	task [dreg:s7], $0x5FFFF  }
0xac: {  	[dreg:$0x1] =	wrdreg $0xFFFFFFFF  }
0xad: {  	[dreg:$0x0] =	wrdreg $0x60  }
0xae: {  	[dreg:$0x2] =	wrdreg s2  }
0xaf: {  	[dreg:$0x3] =	wrdreg s24  }
0xb0: {  	[dreg:$0x4] =	wrdreg $0x9  }
0xb1: {  	_ =	task.clear_ibuf [dreg:s7], $0x5FFFF;
	_ =	strace $0x90000046  }
0xb2: {  	s29 =	simm.s32 $0x9;
	_ =	strace $0x80000048  }
0xb3: {  	_ =	swait.ge [sflag:s29], $0x1  }
0xb4: {  	[sflag:s29] =	ssyncadd.s32 $0xFFFFFFFF  }
0xb5: {  	_ =	strace $0x90000048  }
0xb6: {  	_ =	sfence  }
0xb7: {  	s30 =	sld [smem:$0x0];
	_ =	sdelay $0x2  }
0xb8: {  	s31 =	sshll.u32 s1, $0xD;
	s1 =	sshrl.u32 s1, $0x2  }
0xb9: {  	s3 =	sand.u32 $0x4000, s31;
	s1 =	sadd.s32 s1, s30  }
0xba: {  	s0 =	sor.u32 s3, s0;
	s1 =	sshll.u32 s1, $0x11  }
0xbb: {  	s0 =	sor.u32 s1, s0  }
0xbc: {  	s0 =	sadd.s32 $0x8F2B, s0  }
0xbd: {  	[sflag:s0] =	ssyncadd.remote.s32 $0x1  }
0xbe: {  	_ =	sfence.sel $0xFFFF  }
0xbf: {  	[dreg:$0x0] =	wrdreg $0xFFFFFFFF;
	(pc) =	sbr.abs _section_cstart, $3  }
0xc0: {  	[dreg:$0x1] =	wrdreg $0xFFFFFFFF  }
0xc1: {  	_ =	task.clear_ibuf [dreg:s7], $0x2FFFF;
	_ =	strace $0x9FFFFFFF  }
0xc2: {  	(tm) =	ssettm $0x7FFFFFFF  }
0xc3: {  	_ =	shalt  }
tec
execute0_lowered:
.L_overlay_start_1:
0x0: {  	(tag) =	ssettag $0x1  }
0x1: {  	s2 =	rddreg [dreg:$0x0]  }
0x2: {  	s1 =	srdreg.scid;
	s6 =	rddreg [dreg:$0x1]  }
0x3: {  	s3 =	simm.s32 $0x0;
	s4 =	sand.u32 $0x1, s1;
	s1 =	rddreg [dreg:$0x2]  }
0x4: {  	s9 =	simm.s32 $0x1888;
	[smem:$0x7FF] =	sst s3  }
0x5: {  	s10 =	simm.s32 $0x1D88;
	_ =	strace $0x80000047;
	[dreg:$0x4] =	wrdreg s9  }
0x6: {  	s11 =	simm.s32 $0x2288;
	[dreg:$0x5] =	wrdreg s10  }
0x7: {  	s12 =	simm.s32 $0x2788;
	[dreg:$0x6] =	wrdreg s11  }
0x8: {  	s13 =	simm.s32 $0x2C88;
	[dreg:$0x7] =	wrdreg s12  }
0x9: {  	s14 =	simm.s32 $0x3188;
	[dreg:$0x8] =	wrdreg s13  }
0xa: {  	s15 =	simm.s32 $0x3688;
	[dreg:$0x9] =	wrdreg s14  }
0xb: {  	s16 =	simm.s32 $0x3B88;
	[dreg:$0xa] =	wrdreg s15  }
0xc: {  	s17 =	simm.s32 $0x4088;
	[dreg:$0xb] =	wrdreg s16  }
0xd: {  	s19 =	simm.s32 $0x4588;
	[dreg:$0xc] =	wrdreg s17  }
0xe: {  	s20 =	simm.s32 $0x4A88;
	[dreg:$0xd] =	wrdreg s19  }
0xf: {  	s21 =	simm.s32 $0x4F88;
	[dreg:$0xe] =	wrdreg s20  }
0x10: {  	s22 =	simm.s32 $0x5488;
	[dreg:$0xf] =	wrdreg s21  }
0x11: {  	s23 =	simm.s32 $0x5988;
	[dreg:$0x10] =	wrdreg s22  }
0x12: {  	s24 =	simm.s32 $0x5E88;
	[dreg:$0x11] =	wrdreg s23  }
0x13: {  	s25 =	simm.s32 $0x6388;
	[dreg:$0x12] =	wrdreg s24  }
0x14: {  	s28 =	simm.s32 $0x6888;
	[dreg:$0x13] =	wrdreg s25  }
0x15: {  	s29 =	simm.s32 $0x6D88;
	[dreg:$0x14] =	wrdreg s28  }
0x16: {  	s0 =	stileid.u32;
	s30 =	simm.s32 $0x7288;
	[dreg:$0x15] =	wrdreg s29  }
0x17: {  	s31 =	simm.s32 $0x7788;
	s5 =	smul.u32 $0x9C40, s0;
	[dreg:$0x16] =	wrdreg s30  }
0x18: {  	s8 =	simm.s32 $0x7C88;
	s7 =	smul.u32 $0x4E20, s4;
	[dreg:$0x17] =	wrdreg s31  }
0x19: {  	s18 =	sshll.u32 s0, $0x1;
	[dreg:$0x18] =	wrdreg s8;
	s5 =	sadd.s32 s5, s6  }
0x1a: {  	s10 =	simm.s32 $0x8188;
	s5 =	sadd.s32 s7, s5;
	s7 =	sor.u32 s4, s18  }
0x1b: {  	s8 =	simm.s32 $0x1388;
	s9 =	simm.s32 $0x1;
	s7 =	smul.u32 $0x1388, s7  }
0x1c: {  	s11 =	simm.s32 $0x8B88;
	s12 =	simm.s32 $0x0;
	[dreg:$0x19] =	wrdreg s10  }
0x1d: {  	s10 =	simm.s32 $0x8688;
	s4 =	ssub.s32 $0x2, s4;
	s7 =	sshrl.u32 s7, $0x3  }
0x1e: {  	s5 =	sadd.s32 $0x33600, s5;
	s26 =	sshrl.u32 s4, $0x1;
	s6 =	sadd.s32 s7, s6  }
0x1f: {  	[dreg:$0x3] =	wrdreg s5;
	s7 =	ssub.s32 s4, s26;
	s4 =	sadd.s32 $0x29600, s6  }
0x20: {  	s5 =	smax.u32 s7, $0x1;
	s6 =	simm.s32 $0x2;
	s7 =	simm.s32 $0x28  }
.LBB2_1:
0x21: {  	[tilespmem:s3], [sflag:$0x2] =	stream.linear.gather [hbm4b:s4+s3], $0x1388, $0x38;
	[tilespmem:$0x9088] =	vst v63  }
0x22: {  	_ =	swait.ge [sflag:s6], $0x1388  }
0x23: {  	[sflag:s6] =	ssyncset.done $0x0  }
0x24: {  	s13 =	simm.s32 $0x0;
	[sflag:s6] =	ssyncadd.s32 $0xFFFFEC78  }
0x25: {  	[tilespmem:s8], [sflag:$0x1] =	stream.indirect.gather [hbm4b:s2+s7], $0x20, s13, s7, $0xb8;
	[tilespmem:$0x9088] =	vst v63  }
0x26: {  	s17 =	simm.s32 $0x28;
	s14 =	rddreg [dreg:$0x4]  }
0x27: {  	[tilespmem:s14], [sflag:$0x1] =	stream.indirect.gather [hbm4b:s2+s7], $0x20, s17, s7, $0xb8;
	[tilespmem:$0x9088] =	vst v63  }
0x28: {  	s18 =	simm.s32 $0x50;
	s15 =	rddreg [dreg:$0x5]  }
0x29: {  	[tilespmem:s15], [sflag:$0x1] =	stream.indirect.gather [hbm4b:s2+s7], $0x20, s18, s7, $0xb8;
	[tilespmem:$0x9088] =	vst v63  }
0x2a: {  	s20 =	simm.s32 $0x78;
	s19 =	rddreg [dreg:$0x6]  }
0x2b: {  	[tilespmem:s19], [sflag:$0x1] =	stream.indirect.gather [hbm4b:s2+s7], $0x20, s20, s7, $0xb8;
	[tilespmem:$0x9088] =	vst v63  }
0x2c: {  	s22 =	simm.s32 $0xA0;
	s21 =	rddreg [dreg:$0x7]  }
0x2d: {  	[tilespmem:s21], [sflag:$0x1] =	stream.indirect.gather [hbm4b:s2+s7], $0x20, s22, s7, $0xb8;
	[tilespmem:$0x9088] =	vst v63  }
0x2e: {  	_ =	swait.ge [sflag:s9], $0x500  }
0x2f: {  	[sflag:s9] =	ssyncset.done $0x0  }
0x30: {  	[sflag:s9] =	ssyncadd.s32 $0xFFFFFB00  }
0x31: {  	_ =	swait.ge [sflag:s9], $0x500  }
0x32: {  	[sflag:s9] =	ssyncset.done $0x0  }
0x33: {  	[sflag:s9] =	ssyncadd.s32 $0xFFFFFB00  }
0x34: {  	_ =	swait.ge [sflag:s9], $0x500  }
0x35: {  	[sflag:s9] =	ssyncset.done $0x0  }
0x36: {  	[sflag:s9] =	ssyncadd.s32 $0xFFFFFB00  }
0x37: {  	_ =	swait.ge [sflag:s9], $0x500  }
0x38: {  	[sflag:s9] =	ssyncset.done $0x0  }
0x39: {  	[sflag:s9] =	ssyncadd.s32 $0xFFFFFB00  }
0x3a: {  	_ =	swait.ge [sflag:s9], $0x500  }
0x3b: {  	[sflag:s9] =	ssyncset.done $0x0  }
0x3c: {  	s25 =	simm.s32 $0xC8;
	s23 =	rddreg [dreg:$0x8];
	[sflag:s9] =	ssyncadd.s32 $0xFFFFFB00  }
0x3d: {  	[tilespmem:s23], [sflag:$0x1] =	stream.indirect.gather [hbm4b:s2+s7], $0x20, s25, s7, $0xb8;
	[tilespmem:$0x9088] =	vst v63  }
0x3e: {  	s28 =	simm.s32 $0xF0;
	s24 =	rddreg [dreg:$0x9]  }
0x3f: {  	[tilespmem:s24], [sflag:$0x1] =	stream.indirect.gather [hbm4b:s2+s7], $0x20, s28, s7, $0xb8;
	[tilespmem:$0x9088] =	vst v63  }
0x40: {  	s29 =	simm.s32 $0x118;
	s26 =	rddreg [dreg:$0xa]  }
0x41: {  	[tilespmem:s26], [sflag:$0x1] =	stream.indirect.gather [hbm4b:s2+s7], $0x20, s29, s7, $0xb8;
	[tilespmem:$0x9088] =	vst v63  }
0x42: {  	s16 =	simm.s32 $0x140;
	s30 =	rddreg [dreg:$0xb]  }
0x43: {  	[tilespmem:s30], [sflag:$0x1] =	stream.indirect.gather [hbm4b:s2+s7], $0x20, s16, s7, $0xb8;
	[tilespmem:$0x9088] =	vst v63  }
0x44: {  	s17 =	simm.s32 $0x168;
	s31 =	rddreg [dreg:$0xc]  }
0x45: {  	[tilespmem:s31], [sflag:$0x1] =	stream.indirect.gather [hbm4b:s2+s7], $0x20, s17, s7, $0xb8;
	[tilespmem:$0x9088] =	vst v63  }
0x46: {  	_ =	swait.ge [sflag:s9], $0x500  }
0x47: {  	[sflag:s9] =	ssyncset.done $0x0  }
0x48: {  	[sflag:s9] =	ssyncadd.s32 $0xFFFFFB00  }
0x49: {  	_ =	swait.ge [sflag:s9], $0x500  }
0x4a: {  	[sflag:s9] =	ssyncset.done $0x0  }
0x4b: {  	[sflag:s9] =	ssyncadd.s32 $0xFFFFFB00  }
0x4c: {  	_ =	swait.ge [sflag:s9], $0x500  }
0x4d: {  	[sflag:s9] =	ssyncset.done $0x0  }
0x4e: {  	[sflag:s9] =	ssyncadd.s32 $0xFFFFFB00  }
0x4f: {  	_ =	swait.ge [sflag:s9], $0x500  }
0x50: {  	[sflag:s9] =	ssyncset.done $0x0  }
0x51: {  	[sflag:s9] =	ssyncadd.s32 $0xFFFFFB00  }
0x52: {  	_ =	swait.ge [sflag:s9], $0x500  }
0x53: {  	[sflag:s9] =	ssyncset.done $0x0  }
0x54: {  	s20 =	simm.s32 $0x190;
	s18 =	rddreg [dreg:$0xd];
	[sflag:s9] =	ssyncadd.s32 $0xFFFFFB00  }
0x55: {  	[tilespmem:s18], [sflag:$0x1] =	stream.indirect.gather [hbm4b:s2+s7], $0x20, s20, s7, $0xb8;
	[tilespmem:$0x9088] =	vst v63  }
0x56: {  	s22 =	simm.s32 $0x1B8;
	s19 =	rddreg [dreg:$0xe]  }
0x57: {  	[tilespmem:s19], [sflag:$0x1] =	stream.indirect.gather [hbm4b:s2+s7], $0x20, s22, s7, $0xb8;
	[tilespmem:$0x9088] =	vst v63  }
0x58: {  	s24 =	simm.s32 $0x1E0;
	s21 =	rddreg [dreg:$0xf]  }
0x59: {  	[tilespmem:s21], [sflag:$0x1] =	stream.indirect.gather [hbm4b:s2+s7], $0x20, s24, s7, $0xb8;
	[tilespmem:$0x9088] =	vst v63  }
0x5a: {  	s26 =	simm.s32 $0x208;
	s23 =	rddreg [dreg:$0x10]  }
0x5b: {  	[tilespmem:s23], [sflag:$0x1] =	stream.indirect.gather [hbm4b:s2+s7], $0x20, s26, s7, $0xb8;
	[tilespmem:$0x9088] =	vst v63  }
0x5c: {  	s28 =	simm.s32 $0x230;
	s25 =	rddreg [dreg:$0x11]  }
0x5d: {  	[tilespmem:s25], [sflag:$0x1] =	stream.indirect.gather [hbm4b:s2+s7], $0x20, s28, s7, $0xb8;
	[tilespmem:$0x9088] =	vst v63  }
0x5e: {  	_ =	swait.ge [sflag:s9], $0x500  }
0x5f: {  	[sflag:s9] =	ssyncset.done $0x0  }
0x60: {  	[sflag:s9] =	ssyncadd.s32 $0xFFFFFB00  }
0x61: {  	_ =	swait.ge [sflag:s9], $0x500  }
0x62: {  	[sflag:s9] =	ssyncset.done $0x0  }
0x63: {  	[sflag:s9] =	ssyncadd.s32 $0xFFFFFB00  }
0x64: {  	_ =	swait.ge [sflag:s9], $0x500  }
0x65: {  	[sflag:s9] =	ssyncset.done $0x0  }
0x66: {  	[sflag:s9] =	ssyncadd.s32 $0xFFFFFB00  }
0x67: {  	_ =	swait.ge [sflag:s9], $0x500  }
0x68: {  	[sflag:s9] =	ssyncset.done $0x0  }
0x69: {  	[sflag:s9] =	ssyncadd.s32 $0xFFFFFB00  }
0x6a: {  	_ =	swait.ge [sflag:s9], $0x500  }
0x6b: {  	[sflag:s9] =	ssyncset.done $0x0  }
0x6c: {  	s30 =	simm.s32 $0x258;
	s29 =	rddreg [dreg:$0x12];
	[sflag:s9] =	ssyncadd.s32 $0xFFFFFB00  }
0x6d: {  	[tilespmem:s29], [sflag:$0x1] =	stream.indirect.gather [hbm4b:s2+s7], $0x20, s30, s7, $0xb8;
	[tilespmem:$0x9088] =	vst v63  }
0x6e: {  	s14 =	simm.s32 $0x280;
	s31 =	rddreg [dreg:$0x13]  }
0x6f: {  	[tilespmem:s31], [sflag:$0x1] =	stream.indirect.gather [hbm4b:s2+s7], $0x20, s14, s7, $0xb8;
	[tilespmem:$0x9088] =	vst v63  }
0x70: {  	s17 =	simm.s32 $0x2A8;
	s16 =	rddreg [dreg:$0x14]  }
0x71: {  	[tilespmem:s16], [sflag:$0x1] =	stream.indirect.gather [hbm4b:s2+s7], $0x20, s17, s7, $0xb8;
	[tilespmem:$0x9088] =	vst v63  }
0x72: {  	s19 =	simm.s32 $0x2D0;
	s18 =	rddreg [dreg:$0x15]  }
0x73: {  	[tilespmem:s18], [sflag:$0x1] =	stream.indirect.gather [hbm4b:s2+s7], $0x20, s19, s7, $0xb8;
	[tilespmem:$0x9088] =	vst v63  }
0x74: {  	s21 =	simm.s32 $0x2F8;
	s20 =	rddreg [dreg:$0x16]  }
0x75: {  	[tilespmem:s20], [sflag:$0x1] =	stream.indirect.gather [hbm4b:s2+s7], $0x20, s21, s7, $0xb8;
	[tilespmem:$0x9088] =	vst v63  }
0x76: {  	_ =	swait.ge [sflag:s9], $0x500  }
0x77: {  	[sflag:s9] =	ssyncset.done $0x0  }
0x78: {  	[sflag:s9] =	ssyncadd.s32 $0xFFFFFB00  }
0x79: {  	_ =	swait.ge [sflag:s9], $0x500  }
0x7a: {  	[sflag:s9] =	ssyncset.done $0x0  }
0x7b: {  	[sflag:s9] =	ssyncadd.s32 $0xFFFFFB00  }
0x7c: {  	_ =	swait.ge [sflag:s9], $0x500  }
0x7d: {  	[sflag:s9] =	ssyncset.done $0x0  }
0x7e: {  	[sflag:s9] =	ssyncadd.s32 $0xFFFFFB00  }
0x7f: {  	_ =	swait.ge [sflag:s9], $0x500  }
0x80: {  	[sflag:s9] =	ssyncset.done $0x0  }
0x81: {  	[sflag:s9] =	ssyncadd.s32 $0xFFFFFB00  }
0x82: {  	_ =	swait.ge [sflag:s9], $0x500  }
0x83: {  	[sflag:s9] =	ssyncset.done $0x0  }
0x84: {  	s23 =	simm.s32 $0x320;
	s22 =	rddreg [dreg:$0x17];
	[sflag:s9] =	ssyncadd.s32 $0xFFFFFB00  }
0x85: {  	[tilespmem:s22], [sflag:$0x1] =	stream.indirect.gather [hbm4b:s2+s7], $0x20, s23, s7, $0xb8;
	[tilespmem:$0x9088] =	vst v63  }
0x86: {  	s26 =	simm.s32 $0x348;
	s24 =	rddreg [dreg:$0x18]  }
0x87: {  	[tilespmem:s24], [sflag:$0x1] =	stream.indirect.gather [hbm4b:s2+s7], $0x20, s26, s7, $0xb8;
	[tilespmem:$0x9088] =	vst v63  }
0x88: {  	s28 =	simm.s32 $0x370;
	s25 =	rddreg [dreg:$0x19]  }
0x89: {  	[tilespmem:s25], [sflag:$0x1] =	stream.indirect.gather [hbm4b:s2+s7], $0x20, s28, s7, $0xb8;
	[tilespmem:$0x9088] =	vst v63  }
0x8a: {  	s29 =	simm.s32 $0x398  }
0x8b: {  	[tilespmem:s10], [sflag:$0x1] =	stream.indirect.gather [hbm4b:s2+s7], $0x20, s29, s7, $0xb8;
	[tilespmem:$0x9088] =	vst v63  }
0x8c: {  	s30 =	simm.s32 $0x3C0  }
0x8d: {  	[tilespmem:s11], [sflag:$0x1] =	stream.indirect.gather [hbm4b:s2+s7], $0x20, s30, s7, $0xb8;
	[tilespmem:$0x9088] =	vst v63  }
0x8e: {  	_ =	swait.ge [sflag:s9], $0x500  }
0x8f: {  	[sflag:s9] =	ssyncset.done $0x0  }
0x90: {  	[sflag:s9] =	ssyncadd.s32 $0xFFFFFB00  }
0x91: {  	_ =	swait.ge [sflag:s9], $0x500  }
0x92: {  	[sflag:s9] =	ssyncset.done $0x0  }
0x93: {  	[sflag:s9] =	ssyncadd.s32 $0xFFFFFB00  }
0x94: {  	_ =	swait.ge [sflag:s9], $0x500  }
0x95: {  	[sflag:s9] =	ssyncset.done $0x0  }
0x96: {  	[sflag:s9] =	ssyncadd.s32 $0xFFFFFB00  }
0x97: {  	_ =	swait.ge [sflag:s9], $0x500  }
0x98: {  	[sflag:s9] =	ssyncset.done $0x0  }
0x99: {  	[sflag:s9] =	ssyncadd.s32 $0xFFFFFB00  }
0x9a: {  	_ =	swait.ge [sflag:s9], $0x500  }
0x9b: {  	s31 =	rddreg [dreg:$0x3];
	[sflag:s9] =	ssyncset.done $0x0  }
0x9c: {  	[sflag:s9] =	ssyncadd.s32 $0xFFFFFB00;
	s13 =	sadd.s32 $0x0, s31  }
0x9d: {  	[hbm4b:s13+s3] =	stream.linear.scatter [tilespmem:s8], [sflag:$0x2], $0x7D00, $0x38;
	[tilespmem:$0x9088] =	vst v63  }
0x9e: {  	_ =	swait.ge [sflag:s6], $0x7D00  }
0x9f: {  	s17 =	simm.s32 $0x1F40;
	s13 =	simm.s32 $0xFA0;
	[sflag:s6] =	ssyncset.done $0x0  }
.LBB2_2:
0xa0: {  	s16 =	sshra.s32 s13, $0x2;
	[sflag:s6] =	ssyncadd.s32 $0xFFFF8300  }
0xa1: {  	[tilespmem:s8], [sflag:$0x1] =	stream.indirect.gather [hbm4b:s2+s7], $0x20, s16, s7, $0xb8;
	[tilespmem:$0x9088] =	vst v63  }
0xa2: {  	s18 =	rddreg [dreg:$0x4];
	s19 =	sadd.s32 $0x28, s16  }
0xa3: {  	[tilespmem:s18], [sflag:$0x1] =	stream.indirect.gather [hbm4b:s2+s7], $0x20, s19, s7, $0xb8;
	[tilespmem:$0x9088] =	vst v63  }
0xa4: {  	s20 =	rddreg [dreg:$0x5];
	s19 =	sadd.s32 $0x50, s16  }
0xa5: {  	[tilespmem:s20], [sflag:$0x1] =	stream.indirect.gather [hbm4b:s2+s7], $0x20, s19, s7, $0xb8;
	[tilespmem:$0x9088] =	vst v63  }
0xa6: {  	s21 =	rddreg [dreg:$0x6];
	s22 =	sadd.s32 $0x78, s16  }
0xa7: {  	[tilespmem:s21], [sflag:$0x1] =	stream.indirect.gather [hbm4b:s2+s7], $0x20, s22, s7, $0xb8;
	[tilespmem:$0x9088] =	vst v63  }
0xa8: {  	s23 =	rddreg [dreg:$0x7];
	s24 =	sadd.s32 $0xA0, s16  }
0xa9: {  	[tilespmem:s23], [sflag:$0x1] =	stream.indirect.gather [hbm4b:s2+s7], $0x20, s24, s7, $0xb8;
	[tilespmem:$0x9088] =	vst v63  }
0xaa: {  	_ =	swait.ge [sflag:s9], $0x500  }
0xab: {  	[sflag:s9] =	ssyncset.done $0x0  }
0xac: {  	[sflag:s9] =	ssyncadd.s32 $0xFFFFFB00  }
0xad: {  	_ =	swait.ge [sflag:s9], $0x500  }
0xae: {  	[sflag:s9] =	ssyncset.done $0x0  }
0xaf: {  	[sflag:s9] =	ssyncadd.s32 $0xFFFFFB00  }
0xb0: {  	_ =	swait.ge [sflag:s9], $0x500  }
0xb1: {  	[sflag:s9] =	ssyncset.done $0x0  }
0xb2: {  	[sflag:s9] =	ssyncadd.s32 $0xFFFFFB00  }
0xb3: {  	_ =	swait.ge [sflag:s9], $0x500  }
0xb4: {  	[sflag:s9] =	ssyncset.done $0x0  }
0xb5: {  	[sflag:s9] =	ssyncadd.s32 $0xFFFFFB00  }
0xb6: {  	_ =	swait.ge [sflag:s9], $0x500  }
0xb7: {  	[sflag:s9] =	ssyncset.done $0x0  }
0xb8: {  	s28 =	sadd.s32 $0xC8, s16;
	s25 =	rddreg [dreg:$0x8];
	[sflag:s9] =	ssyncadd.s32 $0xFFFFFB00  }
0xb9: {  	[tilespmem:s25], [sflag:$0x1] =	stream.indirect.gather [hbm4b:s2+s7], $0x20, s28, s7, $0xb8;
	[tilespmem:$0x9088] =	vst v63  }
0xba: {  	s30 =	sadd.s32 $0xF0, s16;
	s26 =	rddreg [dreg:$0x9]  }
0xbb: {  	[tilespmem:s26], [sflag:$0x1] =	stream.indirect.gather [hbm4b:s2+s7], $0x20, s30, s7, $0xb8;
	[tilespmem:$0x9088] =	vst v63  }
0xbc: {  	s21 =	sadd.s32 $0x118, s16;
	s29 =	rddreg [dreg:$0xa]  }
0xbd: {  	[tilespmem:s29], [sflag:$0x1] =	stream.indirect.gather [hbm4b:s2+s7], $0x20, s21, s7, $0xb8;
	[tilespmem:$0x9088] =	vst v63  }
0xbe: {  	s23 =	sadd.s32 $0x140, s16;
	s22 =	rddreg [dreg:$0xb]  }
0xbf: {  	[tilespmem:s22], [sflag:$0x1] =	stream.indirect.gather [hbm4b:s2+s7], $0x20, s23, s7, $0xb8;
	[tilespmem:$0x9088] =	vst v63  }
0xc0: {  	s24 =	sadd.s32 $0x168, s16;
	s31 =	rddreg [dreg:$0xc]  }
0xc1: {  	[tilespmem:s31], [sflag:$0x1] =	stream.indirect.gather [hbm4b:s2+s7], $0x20, s24, s7, $0xb8;
	[tilespmem:$0x9088] =	vst v63  }
0xc2: {  	_ =	swait.ge [sflag:s9], $0x500  }
0xc3: {  	[sflag:s9] =	ssyncset.done $0x0  }
0xc4: {  	[sflag:s9] =	ssyncadd.s32 $0xFFFFFB00  }
0xc5: {  	_ =	swait.ge [sflag:s9], $0x500  }
0xc6: {  	[sflag:s9] =	ssyncset.done $0x0  }
0xc7: {  	[sflag:s9] =	ssyncadd.s32 $0xFFFFFB00  }
0xc8: {  	_ =	swait.ge [sflag:s9], $0x500  }
0xc9: {  	[sflag:s9] =	ssyncset.done $0x0  }
0xca: {  	[sflag:s9] =	ssyncadd.s32 $0xFFFFFB00  }
0xcb: {  	_ =	swait.ge [sflag:s9], $0x500  }
0xcc: {  	[sflag:s9] =	ssyncset.done $0x0  }
0xcd: {  	[sflag:s9] =	ssyncadd.s32 $0xFFFFFB00  }
0xce: {  	_ =	swait.ge [sflag:s9], $0x500  }
0xcf: {  	[sflag:s9] =	ssyncset.done $0x0  }
0xd0: {  	s28 =	sadd.s32 $0x190, s16;
	s25 =	rddreg [dreg:$0xd];
	[sflag:s9] =	ssyncadd.s32 $0xFFFFFB00  }
0xd1: {  	[tilespmem:s25], [sflag:$0x1] =	stream.indirect.gather [hbm4b:s2+s7], $0x20, s28, s7, $0xb8;
	[tilespmem:$0x9088] =	vst v63  }
0xd2: {  	s30 =	sadd.s32 $0x1B8, s16;
	s26 =	rddreg [dreg:$0xe]  }
0xd3: {  	[tilespmem:s26], [sflag:$0x1] =	stream.indirect.gather [hbm4b:s2+s7], $0x20, s30, s7, $0xb8;
	[tilespmem:$0x9088] =	vst v63  }
0xd4: {  	s18 =	sadd.s32 $0x1E0, s16;
	s29 =	rddreg [dreg:$0xf]  }
0xd5: {  	[tilespmem:s29], [sflag:$0x1] =	stream.indirect.gather [hbm4b:s2+s7], $0x20, s18, s7, $0xb8;
	[tilespmem:$0x9088] =	vst v63  }
0xd6: {  	s22 =	sadd.s32 $0x208, s16;
	s31 =	rddreg [dreg:$0x10]  }
0xd7: {  	[tilespmem:s31], [sflag:$0x1] =	stream.indirect.gather [hbm4b:s2+s7], $0x20, s22, s7, $0xb8;
	[tilespmem:$0x9088] =	vst v63  }
0xd8: {  	s23 =	sadd.s32 $0x230, s16;
	s21 =	rddreg [dreg:$0x11]  }
0xd9: {  	[tilespmem:s21], [sflag:$0x1] =	stream.indirect.gather [hbm4b:s2+s7], $0x20, s23, s7, $0xb8;
	[tilespmem:$0x9088] =	vst v63  }
0xda: {  	_ =	swait.ge [sflag:s9], $0x500  }
0xdb: {  	[sflag:s9] =	ssyncset.done $0x0  }
0xdc: {  	[sflag:s9] =	ssyncadd.s32 $0xFFFFFB00  }
0xdd: {  	_ =	swait.ge [sflag:s9], $0x500  }
0xde: {  	[sflag:s9] =	ssyncset.done $0x0  }
0xdf: {  	[sflag:s9] =	ssyncadd.s32 $0xFFFFFB00  }
0xe0: {  	_ =	swait.ge [sflag:s9], $0x500  }
0xe1: {  	[sflag:s9] =	ssyncset.done $0x0  }
0xe2: {  	[sflag:s9] =	ssyncadd.s32 $0xFFFFFB00  }
0xe3: {  	_ =	swait.ge [sflag:s9], $0x500  }
0xe4: {  	[sflag:s9] =	ssyncset.done $0x0  }
0xe5: {  	[sflag:s9] =	ssyncadd.s32 $0xFFFFFB00  }
0xe6: {  	_ =	swait.ge [sflag:s9], $0x500  }
0xe7: {  	[sflag:s9] =	ssyncset.done $0x0  }
0xe8: {  	s25 =	sadd.s32 $0x258, s16;
	s24 =	rddreg [dreg:$0x12];
	[sflag:s9] =	ssyncadd.s32 $0xFFFFFB00  }
0xe9: {  	[tilespmem:s24], [sflag:$0x1] =	stream.indirect.gather [hbm4b:s2+s7], $0x20, s25, s7, $0xb8;
	[tilespmem:$0x9088] =	vst v63  }
0xea: {  	s28 =	sadd.s32 $0x280, s16;
	s26 =	rddreg [dreg:$0x13]  }
0xeb: {  	[tilespmem:s26], [sflag:$0x1] =	stream.indirect.gather [hbm4b:s2+s7], $0x20, s28, s7, $0xb8;
	[tilespmem:$0x9088] =	vst v63  }
0xec: {  	s30 =	sadd.s32 $0x2A8, s16;
	s29 =	rddreg [dreg:$0x14]  }
0xed: {  	[tilespmem:s29], [sflag:$0x1] =	stream.indirect.gather [hbm4b:s2+s7], $0x20, s30, s7, $0xb8;
	[tilespmem:$0x9088] =	vst v63  }
0xee: {  	s20 =	sadd.s32 $0x2D0, s16;
	s31 =	rddreg [dreg:$0x15]  }
0xef: {  	[tilespmem:s31], [sflag:$0x1] =	stream.indirect.gather [hbm4b:s2+s7], $0x20, s20, s7, $0xb8;
	[tilespmem:$0x9088] =	vst v63  }
0xf0: {  	s22 =	sadd.s32 $0x2F8, s16;
	s21 =	rddreg [dreg:$0x16]  }
0xf1: {  	[tilespmem:s21], [sflag:$0x1] =	stream.indirect.gather [hbm4b:s2+s7], $0x20, s22, s7, $0xb8;
	[tilespmem:$0x9088] =	vst v63  }
0xf2: {  	_ =	swait.ge [sflag:s9], $0x500  }
0xf3: {  	[sflag:s9] =	ssyncset.done $0x0  }
0xf4: {  	[sflag:s9] =	ssyncadd.s32 $0xFFFFFB00  }
0xf5: {  	_ =	swait.ge [sflag:s9], $0x500  }
0xf6: {  	[sflag:s9] =	ssyncset.done $0x0  }
0xf7: {  	[sflag:s9] =	ssyncadd.s32 $0xFFFFFB00  }
0xf8: {  	_ =	swait.ge [sflag:s9], $0x500  }
0xf9: {  	[sflag:s9] =	ssyncset.done $0x0  }
0xfa: {  	[sflag:s9] =	ssyncadd.s32 $0xFFFFFB00  }
0xfb: {  	_ =	swait.ge [sflag:s9], $0x500  }
0xfc: {  	[sflag:s9] =	ssyncset.done $0x0  }
0xfd: {  	[sflag:s9] =	ssyncadd.s32 $0xFFFFFB00  }
0xfe: {  	_ =	swait.ge [sflag:s9], $0x500  }
0xff: {  	[sflag:s9] =	ssyncset.done $0x0  }
0x100: {  	s25 =	sadd.s32 $0x320, s16;
	s23 =	rddreg [dreg:$0x17];
	[sflag:s9] =	ssyncadd.s32 $0xFFFFFB00  }
0x101: {  	[tilespmem:s23], [sflag:$0x1] =	stream.indirect.gather [hbm4b:s2+s7], $0x20, s25, s7, $0xb8;
	[tilespmem:$0x9088] =	vst v63  }
0x102: {  	s28 =	sadd.s32 $0x348, s16;
	s26 =	rddreg [dreg:$0x18]  }
0x103: {  	[tilespmem:s26], [sflag:$0x1] =	stream.indirect.gather [hbm4b:s2+s7], $0x20, s28, s7, $0xb8;
	[tilespmem:$0x9088] =	vst v63  }
0x104: {  	s29 =	sadd.s32 $0x370, s16;
	s24 =	rddreg [dreg:$0x19]  }
0x105: {  	[tilespmem:s24], [sflag:$0x1] =	stream.indirect.gather [hbm4b:s2+s7], $0x20, s29, s7, $0xb8;
	[tilespmem:$0x9088] =	vst v63  }
0x106: {  	s30 =	sadd.s32 $0x398, s16  }
0x107: {  	[tilespmem:s10], [sflag:$0x1] =	stream.indirect.gather [hbm4b:s2+s7], $0x20, s30, s7, $0xb8;
	[tilespmem:$0x9088] =	vst v63  }
0x108: {  	s16 =	sadd.s32 $0x3C0, s16  }
0x109: {  	[tilespmem:s11], [sflag:$0x1] =	stream.indirect.gather [hbm4b:s2+s7], $0x20, s16, s7, $0xb8;
	[tilespmem:$0x9088] =	vst v63  }
0x10a: {  	_ =	swait.ge [sflag:s9], $0x500  }
0x10b: {  	[sflag:s9] =	ssyncset.done $0x0  }
0x10c: {  	[sflag:s9] =	ssyncadd.s32 $0xFFFFFB00  }
0x10d: {  	_ =	swait.ge [sflag:s9], $0x500  }
0x10e: {  	[sflag:s9] =	ssyncset.done $0x0  }
0x10f: {  	[sflag:s9] =	ssyncadd.s32 $0xFFFFFB00  }
0x110: {  	_ =	swait.ge [sflag:s9], $0x500  }
0x111: {  	[sflag:s9] =	ssyncset.done $0x0  }
0x112: {  	[sflag:s9] =	ssyncadd.s32 $0xFFFFFB00  }
0x113: {  	_ =	swait.ge [sflag:s9], $0x500  }
0x114: {  	[sflag:s9] =	ssyncset.done $0x0  }
0x115: {  	[sflag:s9] =	ssyncadd.s32 $0xFFFFFB00  }
0x116: {  	p0 =	sne.s32 s17, $0x3E80;
	_ =	swait.ge [sflag:s9], $0x500  }
.Ltmp0:
0x117: {  	s31 =	rddreg [dreg:$0x3];
	[sflag:s9] =	ssyncset.done $0x0;
	(pc) =	sbr.rel @p0 .LBB2_2-.Ltmp0, $4  }
0x118: {  	[sflag:s9] =	ssyncadd.s32 $0xFFFFFB00;
	s16 =	sadd.s32 s13, s31  }
0x119: {  	[hbm4b:s16+s3] =	stream.linear.scatter [tilespmem:s8], [sflag:$0x2], $0x7D00, $0x38;
	[tilespmem:$0x9088] =	vst v63  }
0x11a: {  	s15 =	smov.u32 s17;
	s14 =	sadd.s32 $0xFA0, s17;
	_ =	swait.ge [sflag:s6], $0x7D00  }
0x11b: {  	s17 =	smov.u32 s14;
	s13 =	smov.u32 s15;
	[sflag:s6] =	ssyncset.done $0x0  }
0x11c: {  	s14 =	sshra.s32 s13, $0x2;
	[sflag:s6] =	ssyncadd.s32 $0xFFFF8300  }
0x11d: {  	[tilespmem:s8], [sflag:$0x1] =	stream.indirect.gather [hbm4b:s2+s7], $0x20, s14, s7, $0xb8;
	[tilespmem:$0x9088] =	vst v63  }
0x11e: {  	s15 =	rddreg [dreg:$0x4];
	s16 =	sadd.s32 $0x28, s14  }
0x11f: {  	[tilespmem:s15], [sflag:$0x1] =	stream.indirect.gather [hbm4b:s2+s7], $0x20, s16, s7, $0xb8;
	[tilespmem:$0x9088] =	vst v63  }
0x120: {  	s17 =	rddreg [dreg:$0x5];
	s28 =	sadd.s32 $0x50, s14  }
0x121: {  	[tilespmem:s17], [sflag:$0x1] =	stream.indirect.gather [hbm4b:s2+s7], $0x20, s28, s7, $0xb8;
	[tilespmem:$0x9088] =	vst v63  }
0x122: {  	s29 =	rddreg [dreg:$0x6];
	s30 =	sadd.s32 $0x78, s14  }
0x123: {  	[tilespmem:s29], [sflag:$0x1] =	stream.indirect.gather [hbm4b:s2+s7], $0x20, s30, s7, $0xb8;
	[tilespmem:$0x9088] =	vst v63  }
0x124: {  	s31 =	rddreg [dreg:$0x7];
	s18 =	sadd.s32 $0xA0, s14  }
0x125: {  	[tilespmem:s31], [sflag:$0x1] =	stream.indirect.gather [hbm4b:s2+s7], $0x20, s18, s7, $0xb8;
	[tilespmem:$0x9088] =	vst v63  }
0x126: {  	_ =	swait.ge [sflag:s9], $0x500  }
0x127: {  	[sflag:s9] =	ssyncset.done $0x0  }
0x128: {  	[sflag:s9] =	ssyncadd.s32 $0xFFFFFB00  }
0x129: {  	_ =	swait.ge [sflag:s9], $0x500  }
0x12a: {  	[sflag:s9] =	ssyncset.done $0x0  }
0x12b: {  	[sflag:s9] =	ssyncadd.s32 $0xFFFFFB00  }
0x12c: {  	_ =	swait.ge [sflag:s9], $0x500  }
0x12d: {  	[sflag:s9] =	ssyncset.done $0x0  }
0x12e: {  	[sflag:s9] =	ssyncadd.s32 $0xFFFFFB00  }
0x12f: {  	_ =	swait.ge [sflag:s9], $0x500  }
0x130: {  	[sflag:s9] =	ssyncset.done $0x0  }
0x131: {  	[sflag:s9] =	ssyncadd.s32 $0xFFFFFB00  }
0x132: {  	_ =	swait.ge [sflag:s9], $0x500  }
0x133: {  	[sflag:s9] =	ssyncset.done $0x0  }
0x134: {  	s21 =	sadd.s32 $0xC8, s14;
	s19 =	rddreg [dreg:$0x8];
	[sflag:s9] =	ssyncadd.s32 $0xFFFFFB00  }
0x135: {  	[tilespmem:s19], [sflag:$0x1] =	stream.indirect.gather [hbm4b:s2+s7], $0x20, s21, s7, $0xb8;
	[tilespmem:$0x9088] =	vst v63  }
0x136: {  	s23 =	sadd.s32 $0xF0, s14;
	s20 =	rddreg [dreg:$0x9]  }
0x137: {  	[tilespmem:s20], [sflag:$0x1] =	stream.indirect.gather [hbm4b:s2+s7], $0x20, s23, s7, $0xb8;
	[tilespmem:$0x9088] =	vst v63  }
0x138: {  	s24 =	sadd.s32 $0x118, s14;
	s22 =	rddreg [dreg:$0xa]  }
0x139: {  	[tilespmem:s22], [sflag:$0x1] =	stream.indirect.gather [hbm4b:s2+s7], $0x20, s24, s7, $0xb8;
	[tilespmem:$0x9088] =	vst v63  }
0x13a: {  	s28 =	sadd.s32 $0x140, s14;
	s25 =	rddreg [dreg:$0xb]  }
0x13b: {  	[tilespmem:s25], [sflag:$0x1] =	stream.indirect.gather [hbm4b:s2+s7], $0x20, s28, s7, $0xb8;
	[tilespmem:$0x9088] =	vst v63  }
0x13c: {  	s29 =	sadd.s32 $0x168, s14;
	s26 =	rddreg [dreg:$0xc]  }
0x13d: {  	[tilespmem:s26], [sflag:$0x1] =	stream.indirect.gather [hbm4b:s2+s7], $0x20, s29, s7, $0xb8;
	[tilespmem:$0x9088] =	vst v63  }
0x13e: {  	_ =	swait.ge [sflag:s9], $0x500  }
0x13f: {  	[sflag:s9] =	ssyncset.done $0x0  }
0x140: {  	[sflag:s9] =	ssyncadd.s32 $0xFFFFFB00  }
0x141: {  	_ =	swait.ge [sflag:s9], $0x500  }
0x142: {  	[sflag:s9] =	ssyncset.done $0x0  }
0x143: {  	[sflag:s9] =	ssyncadd.s32 $0xFFFFFB00  }
0x144: {  	_ =	swait.ge [sflag:s9], $0x500  }
0x145: {  	[sflag:s9] =	ssyncset.done $0x0  }
0x146: {  	[sflag:s9] =	ssyncadd.s32 $0xFFFFFB00  }
0x147: {  	_ =	swait.ge [sflag:s9], $0x500  }
0x148: {  	[sflag:s9] =	ssyncset.done $0x0  }
0x149: {  	[sflag:s9] =	ssyncadd.s32 $0xFFFFFB00  }
0x14a: {  	_ =	swait.ge [sflag:s9], $0x500  }
0x14b: {  	[sflag:s9] =	ssyncset.done $0x0  }
0x14c: {  	s18 =	sadd.s32 $0x190, s14;
	s30 =	rddreg [dreg:$0xd];
	[sflag:s9] =	ssyncadd.s32 $0xFFFFFB00  }
0x14d: {  	[tilespmem:s30], [sflag:$0x1] =	stream.indirect.gather [hbm4b:s2+s7], $0x20, s18, s7, $0xb8;
	[tilespmem:$0x9088] =	vst v63  }
0x14e: {  	s20 =	sadd.s32 $0x1B8, s14;
	s31 =	rddreg [dreg:$0xe]  }
0x14f: {  	[tilespmem:s31], [sflag:$0x1] =	stream.indirect.gather [hbm4b:s2+s7], $0x20, s20, s7, $0xb8;
	[tilespmem:$0x9088] =	vst v63  }
0x150: {  	s22 =	sadd.s32 $0x1E0, s14;
	s19 =	rddreg [dreg:$0xf]  }
0x151: {  	[tilespmem:s19], [sflag:$0x1] =	stream.indirect.gather [hbm4b:s2+s7], $0x20, s22, s7, $0xb8;
	[tilespmem:$0x9088] =	vst v63  }
0x152: {  	s24 =	sadd.s32 $0x208, s14;
	s21 =	rddreg [dreg:$0x10]  }
0x153: {  	[tilespmem:s21], [sflag:$0x1] =	stream.indirect.gather [hbm4b:s2+s7], $0x20, s24, s7, $0xb8;
	[tilespmem:$0x9088] =	vst v63  }
0x154: {  	s25 =	sadd.s32 $0x230, s14;
	s23 =	rddreg [dreg:$0x11]  }
0x155: {  	[tilespmem:s23], [sflag:$0x1] =	stream.indirect.gather [hbm4b:s2+s7], $0x20, s25, s7, $0xb8;
	[tilespmem:$0x9088] =	vst v63  }
0x156: {  	_ =	swait.ge [sflag:s9], $0x500  }
0x157: {  	[sflag:s9] =	ssyncset.done $0x0  }
0x158: {  	[sflag:s9] =	ssyncadd.s32 $0xFFFFFB00  }
0x159: {  	_ =	swait.ge [sflag:s9], $0x500  }
0x15a: {  	[sflag:s9] =	ssyncset.done $0x0  }
0x15b: {  	[sflag:s9] =	ssyncadd.s32 $0xFFFFFB00  }
0x15c: {  	_ =	swait.ge [sflag:s9], $0x500  }
0x15d: {  	[sflag:s9] =	ssyncset.done $0x0  }
0x15e: {  	[sflag:s9] =	ssyncadd.s32 $0xFFFFFB00  }
0x15f: {  	_ =	swait.ge [sflag:s9], $0x500  }
0x160: {  	[sflag:s9] =	ssyncset.done $0x0  }
0x161: {  	[sflag:s9] =	ssyncadd.s32 $0xFFFFFB00  }
0x162: {  	_ =	swait.ge [sflag:s9], $0x500  }
0x163: {  	[sflag:s9] =	ssyncset.done $0x0  }
0x164: {  	s28 =	sadd.s32 $0x258, s14;
	s26 =	rddreg [dreg:$0x12];
	[sflag:s9] =	ssyncadd.s32 $0xFFFFFB00  }
0x165: {  	[tilespmem:s26], [sflag:$0x1] =	stream.indirect.gather [hbm4b:s2+s7], $0x20, s28, s7, $0xb8;
	[tilespmem:$0x9088] =	vst v63  }
0x166: {  	s30 =	sadd.s32 $0x280, s14;
	s29 =	rddreg [dreg:$0x13]  }
0x167: {  	[tilespmem:s29], [sflag:$0x1] =	stream.indirect.gather [hbm4b:s2+s7], $0x20, s30, s7, $0xb8;
	[tilespmem:$0x9088] =	vst v63  }
0x168: {  	s17 =	sadd.s32 $0x2A8, s14;
	s31 =	rddreg [dreg:$0x14]  }
0x169: {  	[tilespmem:s31], [sflag:$0x1] =	stream.indirect.gather [hbm4b:s2+s7], $0x20, s17, s7, $0xb8;
	[tilespmem:$0x9088] =	vst v63  }
0x16a: {  	s19 =	sadd.s32 $0x2D0, s14;
	s18 =	rddreg [dreg:$0x15]  }
0x16b: {  	[tilespmem:s18], [sflag:$0x1] =	stream.indirect.gather [hbm4b:s2+s7], $0x20, s19, s7, $0xb8;
	[tilespmem:$0x9088] =	vst v63  }
0x16c: {  	s21 =	sadd.s32 $0x2F8, s14;
	s20 =	rddreg [dreg:$0x16]  }
0x16d: {  	[tilespmem:s20], [sflag:$0x1] =	stream.indirect.gather [hbm4b:s2+s7], $0x20, s21, s7, $0xb8;
	[tilespmem:$0x9088] =	vst v63  }
0x16e: {  	_ =	swait.ge [sflag:s9], $0x500  }
0x16f: {  	[sflag:s9] =	ssyncset.done $0x0  }
0x170: {  	[sflag:s9] =	ssyncadd.s32 $0xFFFFFB00  }
0x171: {  	_ =	swait.ge [sflag:s9], $0x500  }
0x172: {  	[sflag:s9] =	ssyncset.done $0x0  }
0x173: {  	[sflag:s9] =	ssyncadd.s32 $0xFFFFFB00  }
0x174: {  	_ =	swait.ge [sflag:s9], $0x500  }
0x175: {  	[sflag:s9] =	ssyncset.done $0x0  }
0x176: {  	[sflag:s9] =	ssyncadd.s32 $0xFFFFFB00  }
0x177: {  	_ =	swait.ge [sflag:s9], $0x500  }
0x178: {  	[sflag:s9] =	ssyncset.done $0x0  }
0x179: {  	[sflag:s9] =	ssyncadd.s32 $0xFFFFFB00  }
0x17a: {  	_ =	swait.ge [sflag:s9], $0x500  }
0x17b: {  	[sflag:s9] =	ssyncset.done $0x0  }
0x17c: {  	s23 =	sadd.s32 $0x320, s14;
	s22 =	rddreg [dreg:$0x17];
	[sflag:s9] =	ssyncadd.s32 $0xFFFFFB00  }
0x17d: {  	[tilespmem:s22], [sflag:$0x1] =	stream.indirect.gather [hbm4b:s2+s7], $0x20, s23, s7, $0xb8;
	[tilespmem:$0x9088] =	vst v63  }
0x17e: {  	s26 =	sadd.s32 $0x348, s14;
	s24 =	rddreg [dreg:$0x18]  }
0x17f: {  	[tilespmem:s24], [sflag:$0x1] =	stream.indirect.gather [hbm4b:s2+s7], $0x20, s26, s7, $0xb8;
	[tilespmem:$0x9088] =	vst v63  }
0x180: {  	s28 =	sadd.s32 $0x370, s14;
	s25 =	rddreg [dreg:$0x19]  }
0x181: {  	[tilespmem:s25], [sflag:$0x1] =	stream.indirect.gather [hbm4b:s2+s7], $0x20, s28, s7, $0xb8;
	[tilespmem:$0x9088] =	vst v63  }
0x182: {  	s29 =	sadd.s32 $0x398, s14  }
0x183: {  	[tilespmem:s10], [sflag:$0x1] =	stream.indirect.gather [hbm4b:s2+s7], $0x20, s29, s7, $0xb8;
	[tilespmem:$0x9088] =	vst v63  }
0x184: {  	s14 =	sadd.s32 $0x3C0, s14  }
0x185: {  	[tilespmem:s11], [sflag:$0x1] =	stream.indirect.gather [hbm4b:s2+s7], $0x20, s14, s7, $0xb8;
	[tilespmem:$0x9088] =	vst v63  }
0x186: {  	_ =	swait.ge [sflag:s9], $0x500  }
0x187: {  	[sflag:s9] =	ssyncset.done $0x0  }
0x188: {  	[sflag:s9] =	ssyncadd.s32 $0xFFFFFB00  }
0x189: {  	_ =	swait.ge [sflag:s9], $0x500  }
0x18a: {  	[sflag:s9] =	ssyncset.done $0x0  }
0x18b: {  	[sflag:s9] =	ssyncadd.s32 $0xFFFFFB00  }
0x18c: {  	_ =	swait.ge [sflag:s9], $0x500  }
0x18d: {  	[sflag:s9] =	ssyncset.done $0x0  }
0x18e: {  	[sflag:s9] =	ssyncadd.s32 $0xFFFFFB00  }
0x18f: {  	_ =	swait.ge [sflag:s9], $0x500  }
0x190: {  	[sflag:s9] =	ssyncset.done $0x0  }
0x191: {  	[sflag:s9] =	ssyncadd.s32 $0xFFFFFB00  }
0x192: {  	s12 =	sadd.s32 $0x1, s12;
	_ =	swait.ge [sflag:s9], $0x500  }
0x193: {  	p0 =	sne.s32 s12, s5;
	s30 =	rddreg [dreg:$0x3];
	[sflag:s9] =	ssyncset.done $0x0  }
.Ltmp1:
0x194: {  	[sflag:s9] =	ssyncadd.s32 $0xFFFFFB00;
	s31 =	sadd.s32 s13, s30;
	(pc) =	sbr.rel @p0 .LBB2_1-.Ltmp1, $4  }
0x195: {  	[hbm4b:s31+s3] =	stream.linear.scatter [tilespmem:s8], [sflag:$0x2], $0x7D00, $0x38;
	[tilespmem:$0x9088] =	vst v63  }
0x196: {  	_ =	swait.ge [sflag:s6], $0x7D00  }
0x197: {  	[sflag:s6] =	ssyncset.done $0x0  }
0x198: {  	[sflag:s6] =	ssyncadd.s32 $0xFFFF8300  }
0x199: {  	_ =	sfence.sel $0x180000  }
0x19a: {  	[bflag:$0x0] =	sbarrier.arrive $0xFFFF  }
0x19b: {  	p0 =	sne.s32 s0, $0x0;
	_ =	strace $0x90000047  }
0x19c: {  	s0 =	sadd.s32 @!p0 $0x100000, s1;
	[bflag:$0x2] =	sbarrier.arrive $0xFFFF  }
0x19d: {  	[sflag:s0] =	ssyncadd.tile.s32 @!p0 $0x1;
	_ =	shalt  }
.Lfunc_end2:
_tile_overlayer_lowered:
.L_overlay_start_2:
0x19e: {  	(tag) =	ssettag $0x2  }
0x19f: {  	s0 =	rddreg [dreg:$0x0];
	s2 =	stileid.u32  }
0x1a0: {  	s1 =	rddreg [dreg:$0x1];
	p0 =	sne.s32 s2, $0x0  }
0x1a1: {  	s3 =	rddreg [dreg:$0x2];
	[bflag:$0x3] =	sbarrier.arrive $0xFFFF;
	s2 =	simm.s32 @!p0 $0x1C02  }
0x1a2: {  	[timem:s3], [sflag:s2] =	dma.local @!p0 [hbm:s0], s1  }
0x1a3: {  	s0 =	simm.s32 @!p0 $0x2  }
0x1a4: {  	_ =	swait.ge @!p0 [sflag:s0], s1  }
0x1a5: {  	s1 =	ssub.s32 @!p0 $0x0, s1;
	[sflag:s0] =	ssyncset.done @!p0 $0x0  }
0x1a6: {  	[sflag:s0] =	ssyncadd.s32 @!p0 s1  }
0x1a7: {  	[bflag:$0x3] =	sbarrier.arrive $0xFFFF  }
0x1a8: {  	_ =	shalt  }

// kernel: kernel.9.cloned.1.call-start
scs
__scs_entry_jumppad:
0x0: {  	(pc) =	sbr.rel $0x88, $3  }
0x1: {  	(tag) =	ssettag $0x0;
	lr =	simm.s32 $0x1  }
0x2: {  	[smem:$0x3F98] =	sst lr;
	_ =	strace $0xD0000000  }
0x3: {  	_ = 	snop  }
0x4: {  	_ = 	snop  }
0x5: {  	_ = 	snop  }
0x6: {  	_ = 	snop  }
0x7: {  	_ = 	snop  }
__scs_overlays_trampoline_lowered:
0x8: {  	[smem:$0x3FA7] =	sst s0  }
0x9: {  	[smem:$0x3FA8] =	sst s1  }
0xa: {  	[smem:$0x3FA9] =	sst s2  }
0xb: {  	[smem:$0x3FAA] =	sst s3  }
0xc: {  	[smem:$0x3FAB] =	sst s4  }
0xd: {  	[smem:$0x3FAC] =	sst s5  }
0xe: {  	[smem:$0x3FAD] =	sst s6  }
0xf: {  	[smem:$0x3FAE] =	sst s7  }
0x10: {  	[smem:$0x3FAF] =	sst s8  }
0x11: {  	[smem:$0x3FB0] =	sst s9;
	s0 =	simm.s32 @!p0 $0x0  }
0x12: {  	s1 =	sld [smem:$0x3F96];
	s0 =	simm.s32 @p0 $0x1  }
0x13: {  	[smem:$0x3FB1] =	sst s0;
	s0 =	simm.s32 @!p1 $0x0  }
0x14: {  	s2 =	sld [smem:$0x3F95];
	s0 =	simm.s32 @p1 $0x1  }
0x15: {  	[smem:$0x3FB2] =	sst s0;
	s0 =	simm.s32 @!p2 $0x0  }
0x16: {  	s3 =	sld [smem:$0x3FDB];
	s0 =	simm.s32 @p2 $0x1  }
0x17: {  	s4 =	simm.s32 $0x1BF5;
	[smem:$0x3FB4] =	sst s0  }
0x18: {  	s0 =	sld [smem:$0x3F97];
	_ =	swait.ge [sflag:s4], $0x0  }
0x19: {  	s7 =	sld [smem:$0x3F98]  }
0x1a: {  	s8 =	sadd.s32 $0xFFFFE003, lr  }
0x1b: {  	s9 =	sadd.s32 $0xFFFFFEF7, lr;
	s5 =	simm.s32 $0xFFFFFFFF;
	p2 =	slt.u32 s8, $0xFFFFF086  }
0x1c: {  	p1 =	slt.u32 s9, $0xF7A;
	s5 =	simm.s32 @!p2 $0x0  }
0x1d: {  	s5 =	simm.s32 @p1 $0x1;
	p0 =	seq.s32 s7, s2  }
0x1e: {  	s7 =	smul.u32 @!p0 $0xF7A, s2;
	p2 =	seq.s32 @!p0 s5, $0x0  }
0x1f: {  	s9 =	smul.u32 $0xF7A, s1;
	s8 =	simm.s32 @!p0 $0x1BF5;
	p2 =	por !p2, p0  }
0x20: {  	[sflag:s8] =	ssyncset.s32 @!p0 $0xFFFFF086;
	s6 =	sadd.s32 @!p0 s3, s7;
	s7 =	simm.s32 @!p0 $0x108  }
0x21: {  	s3 =	sadd.s32 s3, s9;
	s6 =	sadd.s32 @!p0 $0x88, s6;
	s7 =	simm.s32 @p2 $0x1082  }
0x22: {  	[simem:s7], [sflag:s8] =	dma.local @!p0 [hbm:s6], $0xF7A  }
0x23: {  	s9 =	sor.u32 $0xD0000000, s2;
	s6 =	simm.s32 $0x108;
	_ =	swait.ge @!p0 [sflag:s8], $0x0  }
0x24: {  	s3 =	sadd.s32 $0x88, s3;
	s6 =	simm.s32 @!p1 $0x1082;
	[sflag:s4] =	ssyncset.s32 $0xFFFFF086  }
0x25: {  	[simem:s6], [sflag:s4] =	dma.local [hbm:s3], $0xF7A  }
0x26: {  	[smem:$0x3F98] =	sst s1;
	(tag) =	ssettag s2;
	_ =	strace s9  }
0x27: {  	s1 =	sld [smem:$0x3FA8]  }
0x28: {  	s2 =	sld [smem:$0x3FA9]  }
0x29: {  	s4 =	sld [smem:$0x3FAB]  }
0x2a: {  	p0 =	seq.s32 s5, $0x0;
	s5 =	sld [smem:$0x3FAC]  }
0x2b: {  	s6 =	sld [smem:$0x3FAD]  }
0x2c: {  	s7 =	sld [smem:$0x3FAE]  }
0x2d: {  	s3 =	simm.s32 $0x108;
	s8 =	sld [smem:$0x3FAF]  }
0x2e: {  	s3 =	simm.s32 @!p0 $0x1082;
	s9 =	sld [smem:$0x3FB0]  }
0x2f: {  	lr =	sadd.s32 s0, s3;
	s0 =	sld [smem:$0x3FA7]  }
0x30: {  	s3 =	sld [smem:$0x3FAA]  }
0x31: {  	[smem:$0x3FB3] =	sst s10  }
0x32: {  	s10 =	sld [smem:$0x3FB1];
	_ =	sdelay $0x3  }
0x33: {  	p0 =	seq.s32 s10, $0x1;
	s10 =	sld [smem:$0x3FB3];
	_ =	sdelay $0x3  }
0x34: {  	[smem:$0x3FB3] =	sst s10  }
0x35: {  	s10 =	sld [smem:$0x3FB2];
	_ =	sdelay $0x3  }
0x36: {  	p1 =	seq.s32 s10, $0x1;
	s10 =	sld [smem:$0x3FB3];
	_ =	sdelay $0x3  }
0x37: {  	[smem:$0x3FB3] =	sst s10  }
0x38: {  	s10 =	sld [smem:$0x3FB4]  }
0x39: {  	_ = 	snop;
	(pc) =	sbr.ind lr, $3  }
0x3a: {  	_ = 	snop  }
0x3b: {  	_ = 	snop  }
0x3c: {  	p2 =	seq.s32 s10, $0x1;
	s10 =	sld [smem:$0x3FB3]  }
0x3d: {  	_ =	shalt  }
0x3e: {  	_ =	shalt  }
0x3f: {  	_ =	shalt  }
0x40: {  	_ =	shalt  }
0x41: {  	_ =	shalt  }
0x42: {  	_ =	shalt  }
0x43: {  	_ =	shalt  }
0x44: {  	_ =	shalt  }
0x45: {  	_ =	shalt  }
0x46: {  	_ =	shalt  }
0x47: {  	_ =	shalt  }
0x48: {  	_ =	shalt  }
0x49: {  	_ =	shalt  }
0x4a: {  	_ =	shalt  }
0x4b: {  	_ =	shalt  }
0x4c: {  	_ =	shalt  }
0x4d: {  	_ =	shalt  }
0x4e: {  	_ =	shalt  }
0x4f: {  	_ =	shalt  }
0x50: {  	_ =	shalt  }
0x51: {  	_ =	shalt  }
0x52: {  	_ =	shalt  }
0x53: {  	_ =	shalt  }
0x54: {  	_ =	shalt  }
0x55: {  	_ =	shalt  }
0x56: {  	_ =	shalt  }
0x57: {  	_ =	shalt  }
0x58: {  	_ =	shalt  }
0x59: {  	_ =	shalt  }
0x5a: {  	_ =	shalt  }
0x5b: {  	_ =	shalt  }
0x5c: {  	_ =	shalt  }
0x5d: {  	_ =	shalt  }
0x5e: {  	_ =	shalt  }
0x5f: {  	_ =	shalt  }
0x60: {  	_ =	shalt  }
0x61: {  	_ =	shalt  }
0x62: {  	_ =	shalt  }
0x63: {  	_ =	shalt  }
0x64: {  	_ =	shalt  }
0x65: {  	_ =	shalt  }
0x66: {  	_ =	shalt  }
0x67: {  	_ =	shalt  }
0x68: {  	_ =	shalt  }
0x69: {  	_ =	shalt  }
0x6a: {  	_ =	shalt  }
0x6b: {  	_ =	shalt  }
0x6c: {  	_ =	shalt  }
0x6d: {  	_ =	shalt  }
0x6e: {  	_ =	shalt  }
0x6f: {  	_ =	shalt  }
0x70: {  	_ =	shalt  }
0x71: {  	_ =	shalt  }
0x72: {  	_ =	shalt  }
0x73: {  	_ =	shalt  }
0x74: {  	_ =	shalt  }
0x75: {  	_ =	shalt  }
0x76: {  	_ =	shalt  }
0x77: {  	_ =	shalt  }
0x78: {  	_ =	shalt  }
0x79: {  	_ =	shalt  }
0x7a: {  	_ =	shalt  }
0x7b: {  	_ =	shalt  }
0x7c: {  	_ =	shalt  }
0x7d: {  	_ =	shalt  }
0x7e: {  	_ =	shalt  }
0x7f: {  	_ =	shalt  }
0x80: {  	_ =	shalt  }
0x81: {  	_ =	shalt  }
0x82: {  	_ =	shalt  }
0x83: {  	_ =	shalt  }
0x84: {  	_ =	shalt  }
0x85: {  	_ =	shalt  }
0x86: {  	_ =	shalt  }
0x87: {  	_ =	shalt  }
.Lfunc_end0:
.L_simem_size_0:
called_computation.1_lowered:
.L_overlay_start_0:
0x88: {  	s2 =	sld [smem:$0x3FD9]  }
0x89: {  	s3 =	sld [smem:$0x3FFE];
	_ =	sdelay $0x1  }
0x8a: {  	s1 =	srdreg.scid  }
0x8b: {  	s0 =	sand.u32 $0x1, s1  }
0x8c: {  	s17 =	sshll.u32 s0, $0xA;
	s2 =	sadd.s32 s3, s2  }
0x8d: {  	s2 =	sadd.s32 s2, s17  }
0x8e: {  	[smem:$0x3FBF] =	sst s2  }
0x8f: {  	_ = 	snop  }
0x90: {  	s2 =	sld [smem:$0x3FD0];
	(tm) =	ssettm $0x1  }
0x91: {  	s18 =	sld [smem:$0x3FFB];
	_ =	sdelay $0x3  }
0x92: {  	_ =	strace s18  }
0x93: {  	s3 =	sld [smem:$0x3FFC];
	_ =	sdelay $0x3  }
0x94: {  	_ =	strace s3  }
0x95: {  	s3 =	sld [smem:$0x3FFD];
	_ =	sdelay $0x3  }
0x96: {  	_ =	strace s3  }
0x97: {  	_ =	strace $0x8FFFFFFF  }
0x98: {  	s19 =	sld [smem:$0x3FDB];
	_ =	sdelay $0x1  }
0x99: {  	s4 =	simm.s32 $_scs_section_size  }
0x9a: {  	s5 =	simm.s32 $_size__tile_overlayer_lowered;
	s6 =	simm.s32 $_tile_overlayer_lowered  }
0x9b: {  	s22 =	simm.s32 $0x1BFF;
	s21 =	sshll.u32 s6, $0x1;
	s3 =	sadd.s32 s4, s19  }
0x9c: {  	s7 =	simm.s32 $0x0;
	s20 =	sshll.u32 s5, $0x1;
	s5 =	sadd.s32 s21, s3  }
0x9d: {  	[timem:s7], [sflag:s22] =	dma.local [hbm:s5], s20  }
0x9e: {  	_ =	swait.ge [sflag:s22], s20  }
0x9f: {  	s4 =	ssub.s32 $0x0, s20;
	[sflag:s22] =	ssyncset.done $0x0  }
0xa0: {  	[sflag:s22] =	ssyncadd.s32 s4;
	_ =	sdelay $0x1  }
0xa1: {  	s23 =	simm.s32 $0x1B8B  }
0xa2: {  	_ =	swait.ge [sflag:s23], $0x1  }
0xa3: {  	[sflag:s23] =	ssyncset.done $0x0  }
0xa4: {  	s25 =	simm.s32 $0x1B8E;
	s24 =	sld [smem:$0x3FFE];
	[sflag:s23] =	ssyncadd.s32 $0xFFFFFFFF  }
0xa5: {  	s26 =	simm.s32 $execute0_lowered;
	[smem:$0x3FD2] =	sst s25  }
0xa6: {  	s5 =	sshll.u32 s26, $0x1;
	_ =	strace $0x80000049;
	[dreg:$0x1] =	wrdreg $0xFFFFFFFF  }
0xa7: {  	s28 =	simm.s32 $_size_execute0_lowered;
	s3 =	sadd.s32 s3, s5;
	[dreg:$0x0] =	wrdreg $0x0  }
0xa8: {  	s5 =	sshll.u32 s28, $0x1;
	[dreg:$0x2] =	wrdreg s3  }
0xa9: {  	[dreg:$0x3] =	wrdreg s5  }
0xaa: {  	[dreg:$0x4] =	wrdreg $0xC0  }
0xab: {  	_ =	task [dreg:s7], $0x5FFFF  }
0xac: {  	[dreg:$0x1] =	wrdreg $0xFFFFFFFF  }
0xad: {  	[dreg:$0x0] =	wrdreg $0x60  }
0xae: {  	[dreg:$0x2] =	wrdreg s24  }
0xaf: {  	[dreg:$0x3] =	wrdreg s2  }
0xb0: {  	[dreg:$0x4] =	wrdreg $0x95880  }
0xb1: {  	[dreg:$0x5] =	wrdreg $0xE3A80  }
0xb2: {  	[dreg:$0x6] =	wrdreg $0x9  }
0xb3: {  	_ =	task.clear_ibuf [dreg:s7], $0x7FFFF;
	_ =	strace $0x90000049  }
0xb4: {  	s29 =	simm.s32 $0x9;
	_ =	strace $0x8000004B  }
0xb5: {  	_ =	swait.ge [sflag:s29], $0x1  }
0xb6: {  	[sflag:s29] =	ssyncadd.s32 $0xFFFFFFFF  }
0xb7: {  	_ =	strace $0x9000004B  }
0xb8: {  	_ =	sfence  }
0xb9: {  	s30 =	sld [smem:$0x0];
	_ =	sdelay $0x2  }
0xba: {  	s31 =	sshll.u32 s1, $0xD;
	s1 =	sshrl.u32 s1, $0x2  }
0xbb: {  	s3 =	sand.u32 $0x4000, s31;
	s1 =	sadd.s32 s1, s30  }
0xbc: {  	s0 =	sor.u32 s3, s0;
	s1 =	sshll.u32 s1, $0x11  }
0xbd: {  	s0 =	sor.u32 s1, s0  }
0xbe: {  	s0 =	sadd.s32 $0x8F2B, s0  }
0xbf: {  	[sflag:s0] =	ssyncadd.remote.s32 $0x1  }
0xc0: {  	_ =	sfence.sel $0xFFFF  }
0xc1: {  	[dreg:$0x0] =	wrdreg $0xFFFFFFFF;
	(pc) =	sbr.abs _section_cstart, $3  }
0xc2: {  	[dreg:$0x1] =	wrdreg $0xFFFFFFFF  }
0xc3: {  	_ =	task.clear_ibuf [dreg:s7], $0x2FFFF;
	_ =	strace $0x9FFFFFFF  }
0xc4: {  	(tm) =	ssettm $0x7FFFFFFF  }
0xc5: {  	_ =	shalt  }
tec
execute0_lowered:
.L_overlay_start_1:
0x0: {  	(tag) =	ssettag $0x1  }
0x1: {  	s0 =	rddreg [dreg:$0x0]  }
0x2: {  	s3 =	rddreg [dreg:$0x2];
	s1 =	srdreg.scid  }
0x3: {  	s5 =	stileid.u32;
	s4 =	rddreg [dreg:$0x3];
	s6 =	simm.s32 $0x0  }
0x4: {  	s17 =	simm.s32 $0x2;
	s21 =	simm.s32 $0x9088;
	s22 =	simm.s32 $0x1388  }
0x5: {  	s23 =	simm.s32 $0x28;
	s24 =	simm.s32 $0x1;
	s25 =	simm.s32 $0x0  }
0x6: {  	s1 =	sand.u32 $0x1, s1;
	s2 =	sshll.u32 s5, $0x1;
	[smem:$0x7FF] =	sst s6  }
0x7: {  	s11 =	smul.u32 $0x4E00, s5;
	s7 =	sadd.s32 $0x33600, s0;
	s10 =	sshll.u32 s5, $0x6  }
0x8: {  	s19 =	sadd.s32 $0x4E000, s3;
	s20 =	sadd.s32 $0x4E000, s4;
	p0 =	sne.s32 s5, $0xF  }
0x9: {  	s2 =	sor.u32 s1, s2;
	_ =	strace $0x8000004A;
	s28 =	smul.u32 $0x9C40, s1  }
0xa: {  	s1 =	ssub.s32 $0x2, s1;
	s10 =	sor.u32 $0x1C02, s10;
	s19 =	sshrl.u32 @!p0 s19, $0x3  }
0xb: {  	s20 =	sshrl.u32 @!p0 s20, $0x3;
	s6 =	smul.u32 $0x1388, s2;
	s29 =	sshrl.u32 s1, $0x1  }
0xc: {  	s30 =	sadd.s32 s11, s3;
	s18 =	sadd.s32 s11, s4;
	s1 =	ssub.s32 s1, s29  }
0xd: {  	s16 =	sshrl.u32 s30, $0x3;
	s8 =	sshrl.u32 s6, $0x3;
	s31 =	smax.u32 s1, $0x1  }
0xe: {  	s12 =	sadd.s32 s8, s0;
	s0 =	sadd.s32 s28, s0;
	s8 =	sshrl.u32 s11, $0x3  }
0xf: {  	s18 =	sshrl.u32 s18, $0x3;
	[dreg:$0x6] =	wrdreg s31;
	s9 =	sadd.s32 s8, s0  }
0x10: {  	s11 =	sadd.s32 $0xD9600, s0;
	s12 =	sadd.s32 $0x2E600, s12;
	s13 =	sadd.s32 $0xE3400, s0  }
0x11: {  	s14 =	sadd.s32 $0xF6E00, s0;
	s9 =	sadd.s32 $0xCFA00, s9;
	[dreg:$0x5] =	wrdreg s12  }
.LBB2_1:
0x12: {  	[spmem:s16], [sflag:s10] =	dma.local [hbm:s9], $0x9C0  }
0x13: {  	_ =	swait.ge [sflag:s17], $0x9C0  }
0x14: {  	[sflag:s17] =	ssyncset.done $0x0  }
0x15: {  	[sflag:s17] =	ssyncadd.s32 $0xFFFFF640  }
0x16: {  	[spmem:s18], [sflag:s10] =	dma.local [hbm:s9], $0x9C0  }
0x17: {  	_ =	swait.ge [sflag:s17], $0x9C0  }
0x18: {  	[sflag:s17] =	ssyncset.done $0x0  }
0x19: {  	s0 =	simm.s32 @!p0 $0x2;
	[sflag:s17] =	ssyncadd.s32 $0xFFFFF640  }
0x1a: {  	[spmem:s19], [sflag:s10] =	dma.local @!p0 [hbm:s11], $0x40  }
0x1b: {  	_ =	swait.ge @!p0 [sflag:s0], $0x40  }
0x1c: {  	[sflag:s0] =	ssyncset.done @!p0 $0x0  }
0x1d: {  	[sflag:s0] =	ssyncadd.s32 @!p0 $0xFFFFFFC0  }
0x1e: {  	[spmem:s20], [sflag:s10] =	dma.local @!p0 [hbm:s11], $0x40  }
0x1f: {  	_ =	swait.ge @!p0 [sflag:s0], $0x40  }
0x20: {  	[sflag:s0] =	ssyncset.done @!p0 $0x0  }
0x21: {  	[sflag:s0] =	ssyncadd.s32 @!p0 $0xFFFFFFC0  }
0x22: {  	s1 =	simm.s32 $0x0;
	s0 =	rddreg [dreg:$0x1]  }
0x23: {  	[tilespmem:s21], [sflag:$0x2] =	stream.linear.gather [hbm4b:s0+s1], $0x500, $0x38;
	[tilespmem:$0x131C8] =	vst v63  }
0x24: {  	_ =	swait.ge [sflag:s17], $0x500  }
0x25: {  	[sflag:s17] =	ssyncset.done $0x0  }
0x26: {  	s31 =	rddreg [dreg:$0x5];
	[sflag:s17] =	ssyncadd.s32 $0xFFFFFB00  }
0x27: {  	[tilespmem:s1], [sflag:$0x2] =	stream.linear.gather [hbm4b:s31+s1], $0x1388, $0x38;
	[tilespmem:$0x131C8] =	vst v63  }
0x28: {  	_ =	swait.ge [sflag:s17], $0x1388  }
0x29: {  	[sflag:s17] =	ssyncset.done $0x0  }
0x2a: {  	[sflag:s17] =	ssyncadd.s32 $0xFFFFEC78  }
0x2b: {  	s26 =	simm.s32 $0xA0;
	s28 =	simm.s32 $0x0;
	[bflag:$0x0] =	sbarrier.arrive $0xFFFF  }
.LBB2_2:
0x2c: {  	s0 =	smul.u32 $0x3E8, s28;
	_ =	sdelay $0x1  }
0x2d: {  	s0 =	sadd.s32 s6, s0  }
0x2e: {  	s0 =	sshll.u32 s0, $0x2  }
0x2f: {  	s1 =	simm.s32 $0x0;
	s0 =	sadd.s32 s7, s0  }
0x30: {  	[tilespmem:s22], [sflag:$0x2] =	stream.linear.gather [hbm4b:s0+s1], $0x7D00, $0x38;
	[tilespmem:$0x131C8] =	vst v63  }
0x31: {  	_ =	swait.ge [sflag:s17], $0x7D00  }
0x32: {  	[sflag:s17] =	ssyncset.done $0x0  }
0x33: {  	s2 =	sadd.s32 $0xFFFFFF60, s26;
	s5 =	simm.s32 $0x1388;
	[sflag:s17] =	ssyncadd.s32 $0xFFFF8300  }
0x34: {  	[spmem:s3] =	stream.indirect.scatter.add.f32 [tilespmem:s5], [sflag:$0x1], $0x20, s2, s23, $0xb8;
	[tilespmem:$0x131C8] =	vst v63  }
0x35: {  	_ = 	snop  }
0x36: {  	[spmem:s4] =	stream.indirect.scatter.add.f32 [tilespmem:s21], [sflag:$0x1], $0x20, s2, s23, $0xb8;
	[tilespmem:$0x131C8] =	vst v63  }
0x37: {  	s12 =	simm.s32 $0x1888;
	s15 =	sadd.s32 $0xFFFFFF88, s26  }
0x38: {  	[spmem:s3] =	stream.indirect.scatter.add.f32 [tilespmem:s12], [sflag:$0x1], $0x20, s15, s23, $0xb8;
	[tilespmem:$0x131C8] =	vst v63  }
0x39: {  	_ = 	snop  }
0x3a: {  	[spmem:s4] =	stream.indirect.scatter.add.f32 [tilespmem:s21], [sflag:$0x1], $0x20, s15, s23, $0xb8;
	[tilespmem:$0x131C8] =	vst v63  }
0x3b: {  	s1 =	simm.s32 $0x1D88;
	s2 =	sadd.s32 $0xFFFFFFB0, s26  }
0x3c: {  	[spmem:s3] =	stream.indirect.scatter.add.f32 [tilespmem:s1], [sflag:$0x1], $0x20, s2, s23, $0xb8;
	[tilespmem:$0x131C8] =	vst v63  }
0x3d: {  	_ = 	snop  }
0x3e: {  	[spmem:s4] =	stream.indirect.scatter.add.f32 [tilespmem:s21], [sflag:$0x1], $0x20, s2, s23, $0xb8;
	[tilespmem:$0x131C8] =	vst v63  }
0x3f: {  	s5 =	simm.s32 $0x2288;
	s12 =	sadd.s32 $0xFFFFFFD8, s26  }
0x40: {  	[spmem:s3] =	stream.indirect.scatter.add.f32 [tilespmem:s5], [sflag:$0x1], $0x20, s12, s23, $0xb8;
	[tilespmem:$0x131C8] =	vst v63  }
0x41: {  	_ = 	snop  }
0x42: {  	[spmem:s4] =	stream.indirect.scatter.add.f32 [tilespmem:s21], [sflag:$0x1], $0x20, s12, s23, $0xb8;
	[tilespmem:$0x131C8] =	vst v63  }
0x43: {  	s15 =	simm.s32 $0x2788  }
0x44: {  	[spmem:s3] =	stream.indirect.scatter.add.f32 [tilespmem:s15], [sflag:$0x1], $0x20, s26, s23, $0xb8;
	[tilespmem:$0x131C8] =	vst v63  }
0x45: {  	_ = 	snop  }
0x46: {  	[spmem:s4] =	stream.indirect.scatter.add.f32 [tilespmem:s21], [sflag:$0x1], $0x20, s26, s23, $0xb8;
	[tilespmem:$0x131C8] =	vst v63  }
0x47: {  	_ =	swait.ge [sflag:s24], $0x500  }
0x48: {  	[sflag:s24] =	ssyncset.done $0x0  }
0x49: {  	[sflag:s24] =	ssyncadd.s32 $0xFFFFFB00  }
0x4a: {  	_ =	swait.ge [sflag:s24], $0x500  }
0x4b: {  	[sflag:s24] =	ssyncset.done $0x0  }
0x4c: {  	[sflag:s24] =	ssyncadd.s32 $0xFFFFFB00  }
0x4d: {  	_ =	swait.ge [sflag:s24], $0x500  }
0x4e: {  	[sflag:s24] =	ssyncset.done $0x0  }
0x4f: {  	[sflag:s24] =	ssyncadd.s32 $0xFFFFFB00  }
0x50: {  	_ =	swait.ge [sflag:s24], $0x500  }
0x51: {  	[sflag:s24] =	ssyncset.done $0x0  }
0x52: {  	[sflag:s24] =	ssyncadd.s32 $0xFFFFFB00  }
0x53: {  	_ =	swait.ge [sflag:s24], $0x500  }
0x54: {  	[sflag:s24] =	ssyncset.done $0x0  }
0x55: {  	[sflag:s24] =	ssyncadd.s32 $0xFFFFFB00  }
0x56: {  	_ =	swait.ge [sflag:s24], $0x500  }
0x57: {  	[sflag:s24] =	ssyncset.done $0x0  }
0x58: {  	[sflag:s24] =	ssyncadd.s32 $0xFFFFFB00  }
0x59: {  	_ =	swait.ge [sflag:s24], $0x500  }
0x5a: {  	[sflag:s24] =	ssyncset.done $0x0  }
0x5b: {  	[sflag:s24] =	ssyncadd.s32 $0xFFFFFB00  }
0x5c: {  	_ =	swait.ge [sflag:s24], $0x500  }
0x5d: {  	[sflag:s24] =	ssyncset.done $0x0  }
0x5e: {  	[sflag:s24] =	ssyncadd.s32 $0xFFFFFB00  }
0x5f: {  	_ =	swait.ge [sflag:s24], $0x500  }
0x60: {  	[sflag:s24] =	ssyncset.done $0x0  }
0x61: {  	s29 =	sadd.s32 $0xC8, s26;
	[sflag:s24] =	ssyncadd.s32 $0xFFFFFB00  }
0x62: {  	s31 =	simm.s32 $0xC800;
	s30 =	sadd.s32 $0xFFFFFF60, s29;
	_ =	swait.ge [sflag:s24], $0x500  }
0x63: {  	s1 =	simm.s32 $0x1900;
	s2 =	sadd.s32 $0xC8, s29;
	[sflag:s24] =	ssyncset.done $0x0  }
.LBB2_3:
0x64: {  	s5 =	sadd.s32 $0xFFFFFF60, s2;
	s0 =	sadd.s32 $0x1388, s1;
	[sflag:s24] =	ssyncadd.s32 $0xFFFFFB00  }
0x65: {  	[spmem:s3] =	stream.indirect.scatter.add.f32 [tilespmem:s0], [sflag:$0x1], $0x20, s30, s23, $0xb8;
	[tilespmem:$0x131C8] =	vst v63  }
0x66: {  	p1 =	sne.s32 s31, $0x19000;
	s0 =	smov.u32 s31;
	s31 =	sadd.s32 $0x6400, s31  }
0x67: {  	[spmem:s4] =	stream.indirect.scatter.add.f32 [tilespmem:s21], [sflag:$0x1], $0x20, s30, s23, $0xb8;
	[tilespmem:$0x131C8] =	vst v63  }
0x68: {  	s12 =	sadd.s32 $0x1888, s1;
	s15 =	sadd.s32 $0xFFFFFF88, s29;
	s30 =	smov.u32 s5  }
0x69: {  	[spmem:s3] =	stream.indirect.scatter.add.f32 [tilespmem:s12], [sflag:$0x1], $0x20, s15, s23, $0xb8;
	[tilespmem:$0x131C8] =	vst v63  }
0x6a: {  	_ = 	snop  }
0x6b: {  	[spmem:s4] =	stream.indirect.scatter.add.f32 [tilespmem:s21], [sflag:$0x1], $0x20, s15, s23, $0xb8;
	[tilespmem:$0x131C8] =	vst v63  }
0x6c: {  	s5 =	sadd.s32 $0x1D88, s1;
	s12 =	sadd.s32 $0xFFFFFFB0, s29  }
0x6d: {  	[spmem:s3] =	stream.indirect.scatter.add.f32 [tilespmem:s5], [sflag:$0x1], $0x20, s12, s23, $0xb8;
	[tilespmem:$0x131C8] =	vst v63  }
0x6e: {  	_ = 	snop  }
0x6f: {  	[spmem:s4] =	stream.indirect.scatter.add.f32 [tilespmem:s21], [sflag:$0x1], $0x20, s12, s23, $0xb8;
	[tilespmem:$0x131C8] =	vst v63  }
0x70: {  	s5 =	sadd.s32 $0x2288, s1;
	s12 =	sadd.s32 $0xFFFFFFD8, s29  }
0x71: {  	[spmem:s3] =	stream.indirect.scatter.add.f32 [tilespmem:s5], [sflag:$0x1], $0x20, s12, s23, $0xb8;
	[tilespmem:$0x131C8] =	vst v63  }
0x72: {  	_ = 	snop  }
0x73: {  	[spmem:s4] =	stream.indirect.scatter.add.f32 [tilespmem:s21], [sflag:$0x1], $0x20, s12, s23, $0xb8;
	[tilespmem:$0x131C8] =	vst v63  }
0x74: {  	s1 =	sadd.s32 $0x2788, s1  }
0x75: {  	[spmem:s3] =	stream.indirect.scatter.add.f32 [tilespmem:s1], [sflag:$0x1], $0x20, s29, s23, $0xb8;
	[tilespmem:$0x131C8] =	vst v63  }
0x76: {  	_ = 	snop  }
0x77: {  	[spmem:s4] =	stream.indirect.scatter.add.f32 [tilespmem:s21], [sflag:$0x1], $0x20, s29, s23, $0xb8;
	[tilespmem:$0x131C8] =	vst v63  }
0x78: {  	s29 =	smov.u32 s2;
	_ =	swait.ge [sflag:s24], $0x500  }
0x79: {  	[sflag:s24] =	ssyncset.done $0x0  }
0x7a: {  	[sflag:s24] =	ssyncadd.s32 $0xFFFFFB00  }
0x7b: {  	_ =	swait.ge [sflag:s24], $0x500  }
0x7c: {  	[sflag:s24] =	ssyncset.done $0x0  }
0x7d: {  	[sflag:s24] =	ssyncadd.s32 $0xFFFFFB00  }
0x7e: {  	_ =	swait.ge [sflag:s24], $0x500  }
0x7f: {  	[sflag:s24] =	ssyncset.done $0x0  }
0x80: {  	[sflag:s24] =	ssyncadd.s32 $0xFFFFFB00  }
0x81: {  	_ =	swait.ge [sflag:s24], $0x500  }
0x82: {  	[sflag:s24] =	ssyncset.done $0x0  }
0x83: {  	[sflag:s24] =	ssyncadd.s32 $0xFFFFFB00  }
0x84: {  	_ =	swait.ge [sflag:s24], $0x500  }
0x85: {  	[sflag:s24] =	ssyncset.done $0x0  }
0x86: {  	[sflag:s24] =	ssyncadd.s32 $0xFFFFFB00  }
0x87: {  	_ =	swait.ge [sflag:s24], $0x500  }
0x88: {  	[sflag:s24] =	ssyncset.done $0x0  }
0x89: {  	[sflag:s24] =	ssyncadd.s32 $0xFFFFFB00  }
0x8a: {  	_ =	swait.ge [sflag:s24], $0x500  }
0x8b: {  	[sflag:s24] =	ssyncset.done $0x0  }
0x8c: {  	[sflag:s24] =	ssyncadd.s32 $0xFFFFFB00  }
0x8d: {  	_ =	swait.ge [sflag:s24], $0x500  }
0x8e: {  	[sflag:s24] =	ssyncset.done $0x0  }
0x8f: {  	[sflag:s24] =	ssyncadd.s32 $0xFFFFFB00  }
.Ltmp0:
0x90: {  	_ =	swait.ge [sflag:s24], $0x500;
	(pc) =	sbr.rel @p1 .LBB2_3-.Ltmp0, $4  }
0x91: {  	[sflag:s24] =	ssyncset.done $0x0  }
0x92: {  	[sflag:s24] =	ssyncadd.s32 $0xFFFFFB00  }
0x93: {  	_ =	swait.ge [sflag:s24], $0x500  }
0x94: {  	s1 =	sshra.s32 s0, $0x2;
	s2 =	sadd.s32 $0xC8, s2;
	[sflag:s24] =	ssyncset.done $0x0  }
0x95: {  	s0 =	sadd.s32 $0x1388, s1;
	[sflag:s24] =	ssyncadd.s32 $0xFFFFFB00  }
0x96: {  	[spmem:s3] =	stream.indirect.scatter.add.f32 [tilespmem:s0], [sflag:$0x1], $0x20, s30, s23, $0xb8;
	[tilespmem:$0x131C8] =	vst v63  }
0x97: {  	_ = 	snop  }
0x98: {  	[spmem:s4] =	stream.indirect.scatter.add.f32 [tilespmem:s21], [sflag:$0x1], $0x20, s30, s23, $0xb8;
	[tilespmem:$0x131C8] =	vst v63  }
0x99: {  	s31 =	sadd.s32 $0x1888, s1;
	s2 =	sadd.s32 $0xFFFFFF88, s29  }
0x9a: {  	[spmem:s3] =	stream.indirect.scatter.add.f32 [tilespmem:s31], [sflag:$0x1], $0x20, s2, s23, $0xb8;
	[tilespmem:$0x131C8] =	vst v63  }
0x9b: {  	_ = 	snop  }
0x9c: {  	[spmem:s4] =	stream.indirect.scatter.add.f32 [tilespmem:s21], [sflag:$0x1], $0x20, s2, s23, $0xb8;
	[tilespmem:$0x131C8] =	vst v63  }
0x9d: {  	s5 =	sadd.s32 $0x1D88, s1;
	s12 =	sadd.s32 $0xFFFFFFB0, s29  }
0x9e: {  	[spmem:s3] =	stream.indirect.scatter.add.f32 [tilespmem:s5], [sflag:$0x1], $0x20, s12, s23, $0xb8;
	[tilespmem:$0x131C8] =	vst v63  }
0x9f: {  	_ = 	snop  }
0xa0: {  	[spmem:s4] =	stream.indirect.scatter.add.f32 [tilespmem:s21], [sflag:$0x1], $0x20, s12, s23, $0xb8;
	[tilespmem:$0x131C8] =	vst v63  }
0xa1: {  	s15 =	sadd.s32 $0x2288, s1;
	s30 =	sadd.s32 $0xFFFFFFD8, s29  }
0xa2: {  	[spmem:s3] =	stream.indirect.scatter.add.f32 [tilespmem:s15], [sflag:$0x1], $0x20, s30, s23, $0xb8;
	[tilespmem:$0x131C8] =	vst v63  }
0xa3: {  	_ = 	snop  }
0xa4: {  	[spmem:s4] =	stream.indirect.scatter.add.f32 [tilespmem:s21], [sflag:$0x1], $0x20, s30, s23, $0xb8;
	[tilespmem:$0x131C8] =	vst v63  }
0xa5: {  	s31 =	sadd.s32 $0x2788, s1  }
0xa6: {  	[spmem:s3] =	stream.indirect.scatter.add.f32 [tilespmem:s31], [sflag:$0x1], $0x20, s29, s23, $0xb8;
	[tilespmem:$0x131C8] =	vst v63  }
0xa7: {  	_ = 	snop  }
0xa8: {  	[spmem:s4] =	stream.indirect.scatter.add.f32 [tilespmem:s21], [sflag:$0x1], $0x20, s29, s23, $0xb8;
	[tilespmem:$0x131C8] =	vst v63  }
0xa9: {  	_ =	swait.ge [sflag:s24], $0x500  }
0xaa: {  	[sflag:s24] =	ssyncset.done $0x0  }
0xab: {  	[sflag:s24] =	ssyncadd.s32 $0xFFFFFB00  }
0xac: {  	_ =	swait.ge [sflag:s24], $0x500  }
0xad: {  	[sflag:s24] =	ssyncset.done $0x0  }
0xae: {  	[sflag:s24] =	ssyncadd.s32 $0xFFFFFB00  }
0xaf: {  	_ =	swait.ge [sflag:s24], $0x500  }
0xb0: {  	[sflag:s24] =	ssyncset.done $0x0  }
0xb1: {  	[sflag:s24] =	ssyncadd.s32 $0xFFFFFB00  }
0xb2: {  	_ =	swait.ge [sflag:s24], $0x500  }
0xb3: {  	[sflag:s24] =	ssyncset.done $0x0  }
0xb4: {  	[sflag:s24] =	ssyncadd.s32 $0xFFFFFB00  }
0xb5: {  	_ =	swait.ge [sflag:s24], $0x500  }
0xb6: {  	[sflag:s24] =	ssyncset.done $0x0  }
0xb7: {  	[sflag:s24] =	ssyncadd.s32 $0xFFFFFB00  }
0xb8: {  	_ =	swait.ge [sflag:s24], $0x500  }
0xb9: {  	[sflag:s24] =	ssyncset.done $0x0  }
0xba: {  	[sflag:s24] =	ssyncadd.s32 $0xFFFFFB00  }
0xbb: {  	_ =	swait.ge [sflag:s24], $0x500  }
0xbc: {  	[sflag:s24] =	ssyncset.done $0x0  }
0xbd: {  	[sflag:s24] =	ssyncadd.s32 $0xFFFFFB00  }
0xbe: {  	_ =	swait.ge [sflag:s24], $0x500  }
0xbf: {  	[sflag:s24] =	ssyncset.done $0x0  }
0xc0: {  	s28 =	sadd.s32 $0x1, s28;
	[sflag:s24] =	ssyncadd.s32 $0xFFFFFB00  }
0xc1: {  	p1 =	sne.s32 s28, $0x5;
	_ =	swait.ge [sflag:s24], $0x500  }
.Ltmp1:
0xc2: {  	[sflag:s24] =	ssyncset.done $0x0;
	(pc) =	sbr.rel @p1 .LBB2_2-.Ltmp1, $4  }
0xc3: {  	[sflag:s24] =	ssyncadd.s32 $0xFFFFFB00  }
0xc4: {  	_ =	swait.ge [sflag:s24], $0x500  }
0xc5: {  	[sflag:s24] =	ssyncset.done $0x0  }
0xc6: {  	s26 =	sadd.s32 $0x3E8, s26;
	[sflag:s24] =	ssyncadd.s32 $0xFFFFFB00  }
0xc7: {  	[bflag:$0x0] =	sbarrier.arrive $0xFFFF;
	s0 =	sadd.s32 s8, s13  }
0xc8: {  	[hbm:s0], [sflag:s10] =	dma.local [spmem:s16], $0x9C0  }
0xc9: {  	_ =	swait.ge [sflag:s17], $0x9C0  }
0xca: {  	[sflag:s17] =	ssyncset.done $0x0  }
0xcb: {  	s30 =	sadd.s32 s8, s14;
	[sflag:s17] =	ssyncadd.s32 $0xFFFFF640  }
0xcc: {  	[hbm:s30], [sflag:s10] =	dma.local [spmem:s18], $0x9C0  }
0xcd: {  	_ =	swait.ge [sflag:s17], $0x9C0  }
0xce: {  	[sflag:s17] =	ssyncset.done $0x0  }
0xcf: {  	s0 =	sadd.s32 @!p0 $0x9C00, s13;
	[sflag:s17] =	ssyncadd.s32 $0xFFFFF640  }
0xd0: {  	[hbm:s0], [sflag:s10] =	dma.local @!p0 [spmem:s19], $0x40  }
0xd1: {  	s0 =	simm.s32 @!p0 $0x2  }
0xd2: {  	_ =	swait.ge @!p0 [sflag:s0], $0x40  }
0xd3: {  	[sflag:s0] =	ssyncset.done @!p0 $0x0  }
0xd4: {  	s1 =	sadd.s32 @!p0 $0x9C00, s14;
	[sflag:s0] =	ssyncadd.s32 @!p0 $0xFFFFFFC0  }
0xd5: {  	[hbm:s1], [sflag:s10] =	dma.local @!p0 [spmem:s20], $0x40  }
0xd6: {  	_ =	swait.ge @!p0 [sflag:s0], $0x40  }
0xd7: {  	s25 =	sadd.s32 $0x1, s25;
	s31 =	rddreg [dreg:$0x6]  }
0xd8: {  	p1 =	sne.s32 s25, s31  }
.Ltmp2:
0xd9: {  	_ = 	snop;
	(pc) =	sbr.rel @p1 .LBB2_1-.Ltmp2, $3  }
0xda: {  	_ =	sdelay $0x1  }
0xdb: {  	[sflag:s0] =	ssyncset.done @!p0 $0x0  }
0xdc: {  	[sflag:s0] =	ssyncadd.s32 @!p0 $0xFFFFFFC0  }
0xdd: {  	_ =	sfence.sel $0x180000  }
0xde: {  	[bflag:$0x0] =	sbarrier.arrive $0xFFFF  }
0xdf: {  	_ =	strace $0x9000004A  }
0xe0: {  	s0 =	stileid.u32;
	[bflag:$0x2] =	sbarrier.arrive $0xFFFF  }
0xe1: {  	p0 =	sne.s32 s0, $0x0;
	s0 =	rddreg [dreg:$0x4]  }
0xe2: {  	s0 =	sadd.s32 @!p0 $0x100000, s0  }
0xe3: {  	[sflag:s0] =	ssyncadd.tile.s32 @!p0 $0x1;
	_ =	shalt  }
.Lfunc_end2:
_tile_overlayer_lowered:
.L_overlay_start_2:
0xe4: {  	(tag) =	ssettag $0x2  }
0xe5: {  	s0 =	rddreg [dreg:$0x0];
	s2 =	stileid.u32  }
0xe6: {  	s1 =	rddreg [dreg:$0x1];
	p0 =	sne.s32 s2, $0x0  }
0xe7: {  	s3 =	rddreg [dreg:$0x2];
	[bflag:$0x3] =	sbarrier.arrive $0xFFFF;
	s2 =	simm.s32 @!p0 $0x1C02  }
0xe8: {  	[timem:s3], [sflag:s2] =	dma.local @!p0 [hbm:s0], s1  }
0xe9: {  	s0 =	simm.s32 @!p0 $0x2  }
0xea: {  	_ =	swait.ge @!p0 [sflag:s0], s1  }
0xeb: {  	s1 =	ssub.s32 @!p0 $0x0, s1;
	[sflag:s0] =	ssyncset.done @!p0 $0x0  }
0xec: {  	[sflag:s0] =	ssyncadd.s32 @!p0 s1  }
0xed: {  	[bflag:$0x3] =	sbarrier.arrive $0xFFFF  }
0xee: {  	_ =	shalt  }

</sc_bundles>
